<compile_context>
chip_gen: v7x
topology: tpu7x:2x2x1
jax: 0.10.2.dev20260603
libtpu: 0.0.44.dev20260713+nightly
codegen_flags: <defaults>
</compile_context>

<pallas_src>
import functools

import jax
import jax.numpy as jnp
from jax import lax
from jax.experimental import pallas as pl
from jax.experimental.pallas import tpu as pltpu
from jax.experimental.pallas import tpu_sc as plsc

N = 10000
E = 320000
F = 128
H = 256
O = 2

NC = 2
NS = 16
NW = NC * NS
L = 16
NP = 10240
RPT = NP // NS
EPW = E // NW
C3 = 80
K3 = 125
NPF = 2 * NP


def _mesh():
    return plsc.VectorSubcoreMesh(core_axis_name="c", subcore_axis_name="s")


def _sc_degrees(src, dst, zflat):
    @functools.partial(
        pl.kernel,
        mesh=_mesh(),
        compiler_params=pltpu.CompilerParams(needs_layout_passes=False),
        out_type=jax.ShapeDtypeStruct((NW, NPF), jnp.float32),
        scratch_types=[
            pltpu.VMEM((EPW,), jnp.int32),
            pltpu.VMEM((EPW,), jnp.int32),
            pltpu.VMEM((NPF,), jnp.float32),
            pltpu.SemaphoreType.DMA,
            pltpu.SemaphoreType.DMA,
            pltpu.SemaphoreType.DMA,
        ],
    )
    def k(src_hbm, dst_hbm, zf_hbm, out_hbm, sidx_v, didx_v, cnt_v,
          sem0, sem1, sem2):
        c = lax.axis_index("c")
        s = lax.axis_index("s")
        wid = s * NC + c
        base = wid * EPW
        cp0 = pltpu.async_copy(zf_hbm, cnt_v, sem0)
        cp1 = pltpu.async_copy(src_hbm.at[pl.ds(base, EPW)], sidx_v, sem1)
        cp2 = pltpu.async_copy(dst_hbm.at[pl.ds(base, EPW)], didx_v, sem2)
        cp0.wait()
        cp1.wait()
        cp2.wait()
        ones = jnp.ones((L,), jnp.float32)
        offs = jnp.full((L,), NP, jnp.int32)

        def body(g, carry):
            i0 = g * L
            plsc.addupdate_scatter(cnt_v, [sidx_v[pl.ds(i0, L)]], ones)
            plsc.addupdate_scatter(cnt_v, [didx_v[pl.ds(i0, L)] + offs], ones)
            return carry

        lax.fori_loop(0, EPW // L, body, 0)
        pltpu.sync_copy(cnt_v, out_hbm.at[wid])

    return k(src, dst, zflat)


def _sc_prop128(xs, srcp, dstp, z2d):
    @functools.partial(
        pl.kernel,
        mesh=_mesh(),
        compiler_params=pltpu.CompilerParams(needs_layout_passes=False),
        out_type=jax.ShapeDtypeStruct((NC, NP, F), jnp.float32),
        scratch_types=[
            pltpu.VMEM((K3, C3), jnp.int32),
            pltpu.VMEM((C3,), jnp.int32),
            pltpu.VMEM((C3,), jnp.int32),
            pltpu.VMEM((C3,), jnp.int32),
            pltpu.VMEM((3, C3, F), jnp.float32),
            pltpu.VMEM_SHARED((NP, F), jnp.float32),
            pltpu.SemaphoreType.DMA,
            pltpu.SemaphoreType.DMA,
            pltpu.SemaphoreType.DMA,
            pltpu.SemaphoreType.DMA,
            pltpu.SemaphoreType.DMA,
            pltpu.SemaphoreType.DMA,
        ],
    )
    def k(xs_hbm, sp_hbm, dp_hbm, z_hbm, out_hbm, src_v, da_v, db_v, dc_v,
          rows_v, acc_sh, g0, g1, g2, d0, d1, d2):
        gsem = (g0, g1, g2)
        dsem = (d0, d1, d2)
        dbuf = (da_v, db_v, dc_v)
        c = lax.axis_index("c")
        s = lax.axis_index("s")
        wid = s * NC + c
        pltpu.sync_copy(z_hbm, acc_sh.at[pl.ds(s * RPT, RPT)])
        pltpu.sync_copy(sp_hbm.at[wid], src_v)
        plsc.subcore_barrier()

        def start_gather(j, t):
            jc = jnp.minimum(j, K3 - 1)
            pltpu.async_copy(xs_hbm.at[src_v.at[jc]], rows_v.at[t], gsem[t])

        def wait_gather(j, t):
            jc = jnp.minimum(j, K3 - 1)
            pltpu.make_async_copy(
                xs_hbm.at[src_v.at[jc]], rows_v.at[t], gsem[t]
            ).wait()

        dbase = wid * (K3 * C3)

        def start_didx(j, t):
            jc = dbase + jnp.minimum(j, K3 - 1) * C3
            pltpu.async_copy(dp_hbm.at[pl.ds(jc, C3)], dbuf[t], dsem[t])

        def wait_didx(j, t):
            jc = dbase + jnp.minimum(j, K3 - 1) * C3
            pltpu.make_async_copy(
                dp_hbm.at[pl.ds(jc, C3)], dbuf[t], dsem[t]
            ).wait()

        def scatter(j, t):
            pltpu.sync_copy(rows_v.at[t], acc_sh.at[dbuf[t]], add=True)

        start_didx(0, 0)
        start_didx(1, 1)
        start_didx(2, 2)
        start_gather(0, 0)
        start_gather(1, 1)

        def step(j, t):
            start_gather(j + 2, (t + 2) % 3)
            wait_gather(j, t)
            wait_didx(j, t)
            scatter(j, t)
            start_didx(j + 3, t)

        step(0, 0)
        step(1, 1)

        def body(m, carry):
            j = 3 * m + 2
            step(j, 2)
            step(j + 1, 0)
            step(j + 2, 1)
            return carry

        lax.fori_loop(0, (K3 - 2) // 3, body, 0)
        wait_gather(K3, 2)
        wait_gather(K3 + 1, 0)
        wait_didx(K3, 2)
        wait_didx(K3 + 1, 0)
        wait_didx(K3 + 2, 1)
        plsc.subcore_barrier()
        pltpu.sync_copy(
            acc_sh.at[pl.ds(s * RPT, RPT)], out_hbm.at[c, pl.ds(s * RPT, RPT)]
        )

    return k(xs, srcp, dstp, z2d)


def _sc_prop2(gflat, src, dst, zflat):
    @functools.partial(
        pl.kernel,
        mesh=_mesh(),
        compiler_params=pltpu.CompilerParams(needs_layout_passes=False),
        out_type=jax.ShapeDtypeStruct((NW, NPF), jnp.float32),
        scratch_types=[
            pltpu.VMEM((NPF,), jnp.float32),
            pltpu.VMEM((NPF,), jnp.float32),
            pltpu.VMEM((EPW,), jnp.int32),
            pltpu.VMEM((EPW,), jnp.int32),
            pltpu.SemaphoreType.DMA,
            pltpu.SemaphoreType.DMA,
            pltpu.SemaphoreType.DMA,
            pltpu.SemaphoreType.DMA,
        ],
    )
    def k(g_hbm, src_hbm, dst_hbm, zf_hbm, out_hbm, g_v, acc_v, sidx_v, didx_v,
          sem0, sem1, sem2, sem3):
        c = lax.axis_index("c")
        s = lax.axis_index("s")
        wid = s * NC + c
        base = wid * EPW
        cp0 = pltpu.async_copy(zf_hbm, acc_v, sem0)
        cp1 = pltpu.async_copy(g_hbm, g_v, sem1)
        cp2 = pltpu.async_copy(src_hbm.at[pl.ds(base, EPW)], sidx_v, sem2)
        cp3 = pltpu.async_copy(dst_hbm.at[pl.ds(base, EPW)], didx_v, sem3)
        cp0.wait()
        cp1.wait()
        cp2.wait()
        cp3.wait()
        ones = jnp.full((L,), 1, jnp.int32)

        def body(g, carry):
            i0 = g * L
            si = sidx_v[pl.ds(i0, L)] * 2
            di = didx_v[pl.ds(i0, L)] * 2
            v0 = plsc.load_gather(g_v, [si])
            v1 = plsc.load_gather(g_v, [si + ones])
            plsc.addupdate_scatter(acc_v, [di], v0)
            plsc.addupdate_scatter(acc_v, [di + ones], v1)
            return carry

        lax.fori_loop(0, EPW // L, body, 0)
        pltpu.sync_copy(acc_v, out_hbm.at[wid])

    return k(gflat, src, dst, zflat)


def _tc_count_norm(cnt32):
    def body(c_ref, o_ref):
        o_ref[...] = lax.rsqrt(jnp.maximum(jnp.sum(c_ref[...], axis=0), 1.0))

    return pl.pallas_call(
        body,
        out_shape=jax.ShapeDtypeStruct((NPF // 128, 128), jnp.float32),
    )(cnt32)


def _tc_scale(x, nsrc_col):
    def body(x_ref, n_ref, o_ref):
        o_ref[pl.ds(0, N)] = x_ref[...] * n_ref[pl.ds(0, N)]

    return pl.pallas_call(
        body,
        out_shape=jax.ShapeDtypeStruct((NP, F), jnp.float32),
    )(x, nsrc_col)


def _tc_mlp(P, ndst_col, nsrc_col, W1, b1r, W2):
    R = 1024
    NB = NP // R

    def body(p_ref, nd_ref, ns_ref, w1_ref, b1_ref, w2_ref, o_ref):
        m = (p_ref[0] + p_ref[1]) * nd_ref[...]
        h = jnp.dot(m, w1_ref[...], preferred_element_type=jnp.float32)
        h = jnp.maximum(h + b1_ref[...], 0.0)
        o_ref[...] = jnp.dot(
            h * ns_ref[...], w2_ref[...], preferred_element_type=jnp.float32
        )

    return pl.pallas_call(
        body,
        grid=(NB,),
        in_specs=[
            pl.BlockSpec((NC, R, F), lambda i: (0, i, 0)),
            pl.BlockSpec((R, 1), lambda i: (i, 0)),
            pl.BlockSpec((R, 1), lambda i: (i, 0)),
            pl.BlockSpec((F, H), lambda i: (0, 0)),
            pl.BlockSpec((1, H), lambda i: (0, 0)),
            pl.BlockSpec((H, O), lambda i: (0, 0)),
        ],
        out_specs=pl.BlockSpec((R, O), lambda i: (i, 0)),
        out_shape=jax.ShapeDtypeStruct((NP, O), jnp.float32),
    )(P, ndst_col, nsrc_col, W1, b1r, W2)


def _tc_sumfinal(q32, nd2, b2row):
    def body(q_ref, nd_ref, b_ref, o_ref):
        o_ref[...] = jnp.sum(q_ref[...], axis=0) * nd_ref[...] + b_ref[...]

    return pl.pallas_call(
        body,
        out_shape=jax.ShapeDtypeStruct((NPF // 128, 128), jnp.float32),
    )(q32, nd2, b2row)


def kernel(inputs, edge_index, W1, b1, W2, b2):
    src = edge_index[0].astype(jnp.int32)
    dst = edge_index[1].astype(jnp.int32)
    zflat = jnp.zeros((NPF,), jnp.float32)
    z2d = jnp.zeros((RPT, F), jnp.float32)

    cnt32 = _sc_degrees(src, dst, zflat)
    norms2d = _tc_count_norm(cnt32.reshape(NW, NPF // 128, 128))
    norms = norms2d.reshape(NPF, 1)
    nsrc_col = norms[:NP]
    ndst_col = norms[NP:]
    xs = _tc_scale(inputs, nsrc_col)

    srcp = src.reshape(NW, K3, C3)
    P = _sc_prop128(xs, srcp, dst, z2d)

    g = _tc_mlp(P, ndst_col, nsrc_col, W1, b1.reshape(1, H), W2)
    q32 = _sc_prop2(g.reshape(NPF), src, dst, zflat)
    nd2 = jnp.repeat(ndst_col.reshape(NP), 2).reshape(NPF // 128, 128)
    b2row = jnp.tile(b2, 128 // O).reshape(1, 128)
    out2d = _tc_sumfinal(q32.reshape(NW, NPF // 128, 128), nd2, b2row)
    return out2d.reshape(NP, O)[:N]

# --- scband reference (transcript-rebuilt; emitter-appended) ---
"""Pipeline reference for scband-node-classifier-25907242730200 (READ-ONLY COPY).

The authoritative reference and input builder live on the scoring server;
editing this copy changes nothing except your own understanding.
"""

import jax, jax.numpy as jnp
import numpy as np

N = 10000
E = 320000
IN_FEATS = 128
HIDDEN = 256
OUT_FEATS = 2


def setup_inputs(seed: int = 0) -> dict:
    key = jax.random.key(seed)
    k1, k2, k3, k4, k5, k6 = jax.random.split(key, 6)
    inputs = jax.random.normal(k1, (N, IN_FEATS), dtype=jnp.float32)
    edge_index = jax.random.randint(k2, (2, E), 0, N)
    W1 = jax.random.normal(k3, (IN_FEATS, HIDDEN), dtype=jnp.float32) * (1.0 / np.sqrt(IN_FEATS))
    b1 = jnp.zeros((HIDDEN,), dtype=jnp.float32)
    W2 = jax.random.normal(k4, (HIDDEN, OUT_FEATS), dtype=jnp.float32) * (1.0 / np.sqrt(HIDDEN))
    b2 = jnp.zeros((OUT_FEATS,), dtype=jnp.float32)
    return {"inputs": inputs, "edge_index": edge_index, "W1": W1, "b1": b1, "W2": W2, "b2": b2}


def reference(inputs, edge_index, W1, b1, W2, b2):
    # DGL GraphConv with norm='both': h_src * out_deg^{-1/2} -> sum over edges -> * in_deg^{-1/2} -> @W + b
    src = edge_index[0]
    dst = edge_index[1]
    deg_out = jnp.clip(jnp.bincount(src, length=N).astype(jnp.float32), 1.0, None)
    deg_in = jnp.clip(jnp.bincount(dst, length=N).astype(jnp.float32), 1.0, None)
    norm_src = jax.lax.rsqrt(deg_out)[:, None]
    norm_dst = jax.lax.rsqrt(deg_in)[:, None]

    def graph_conv(h, W, b):
        h = h * norm_src
        m = jax.ops.segment_sum(h[src], dst, num_segments=N)
        m = m * norm_dst
        return m @ W + b

    h = graph_conv(inputs, W1, b1)
    h = jax.nn.relu(h)
    h = graph_conv(h, W2, b2)
    return h

if __name__ == "__main__":
    import jax
    _d = setup_inputs()
    print(jax.jit(kernel)(*tuple(_d.values())))

</pallas_src>

<mosaic_0001>
#map = affine_map<(d0, d1) -> (0)>
#map1 = affine_map<(d0, d1) -> (0, 0)>
module attributes {stable_mosaic.version = 14 : i64} {
  func.func @k(%arg0: i32, %arg1: i32, %arg2: memref<20480xf32, #tpu.memory_space<hbm>>, %arg3: memref<320000xi32, #tpu.memory_space<hbm>>, %arg4: memref<320000xi32, #tpu.memory_space<hbm>>, %arg5: memref<20480xf32, #tpu.memory_space<hbm>>, %arg6: memref<32x20480xf32, #tpu.memory_space<hbm>>, %arg7: memref<20480xf32, #tpu.memory_space<vmem>>, %arg8: memref<20480xf32, #tpu.memory_space<vmem>>, %arg9: memref<10000xi32, #tpu.memory_space<vmem>>, %arg10: memref<10000xi32, #tpu.memory_space<vmem>>, %arg11: memref<!tpu.dma_semaphore, #tpu.memory_space<semaphore_mem>>, %arg12: memref<!tpu.dma_semaphore, #tpu.memory_space<semaphore_mem>>, %arg13: memref<!tpu.dma_semaphore, #tpu.memory_space<semaphore_mem>>, %arg14: memref<!tpu.dma_semaphore, #tpu.memory_space<semaphore_mem>>) attributes {dimension_semantics = [#tpu.dimension_semantics<core_parallel>, #tpu.dimension_semantics<subcore_parallel>], iteration_bounds = array<i64: 2, 16>, scalar_prefetch = 0 : i64, scratch_operands = 8 : i64, tpu.core_type = #tpu.core_type<sc_vector_subcore>, window_params = [{transform_indices = #map}, {transform_indices = #map}, {transform_indices = #map}, {transform_indices = #map}, {transform_indices = #map1}]} {
    %mul3A = arith.constant 2 : i32
    %mul3A_0 = arith.muli %arg1, %mul3A : i32
    %add3A = arith.addi %mul3A_0, %arg0 : i32
    %mul3A_1 = arith.constant 10000 : i32
    %mul3A_2 = arith.muli %add3A, %mul3A_1 : i32
    tpu.enqueue_dma source(%arg5 : memref<20480xf32, #tpu.memory_space<hbm>>) target(%arg8 : memref<20480xf32, #tpu.memory_space<vmem>>) target_semaphore(%arg11 : memref<!tpu.dma_semaphore, #tpu.memory_space<semaphore_mem>>)
    tpu.enqueue_dma source(%arg2 : memref<20480xf32, #tpu.memory_space<hbm>>) target(%arg7 : memref<20480xf32, #tpu.memory_space<vmem>>) target_semaphore(%arg12 : memref<!tpu.dma_semaphore, #tpu.memory_space<semaphore_mem>>)
    %dma_start3A = tpu.memref_slice %arg3[%mul3A_2] : memref<320000xi32, #tpu.memory_space<hbm>> -> memref<10000xi32, #tpu.memory_space<hbm>>
    %dma_start3A_3 = tpu.memref_slice %arg3[%mul3A_2] : memref<320000xi32, #tpu.memory_space<hbm>> -> memref<10000xi32, #tpu.memory_space<hbm>>
    tpu.enqueue_dma source(%dma_start3A_3 : memref<10000xi32, #tpu.memory_space<hbm>>) target(%arg9 : memref<10000xi32, #tpu.memory_space<vmem>>) target_semaphore(%arg13 : memref<!tpu.dma_semaphore, #tpu.memory_space<semaphore_mem>>)
    %dma_start3A_4 = tpu.memref_slice %arg4[%mul3A_2] : memref<320000xi32, #tpu.memory_space<hbm>> -> memref<10000xi32, #tpu.memory_space<hbm>>
    %dma_start3A_5 = tpu.memref_slice %arg4[%mul3A_2] : memref<320000xi32, #tpu.memory_space<hbm>> -> memref<10000xi32, #tpu.memory_space<hbm>>
    tpu.enqueue_dma source(%dma_start3A_5 : memref<10000xi32, #tpu.memory_space<hbm>>) target(%arg10 : memref<10000xi32, #tpu.memory_space<vmem>>) target_semaphore(%arg14 : memref<!tpu.dma_semaphore, #tpu.memory_space<semaphore_mem>>)
    tpu.wait_dma2 semaphore(%arg11 : memref<!tpu.dma_semaphore, #tpu.memory_space<semaphore_mem>>) src(%arg5 : memref<20480xf32, #tpu.memory_space<hbm>>) dst(%arg8 : memref<20480xf32, #tpu.memory_space<vmem>>)
    tpu.wait_dma2 semaphore(%arg12 : memref<!tpu.dma_semaphore, #tpu.memory_space<semaphore_mem>>) src(%arg2 : memref<20480xf32, #tpu.memory_space<hbm>>) dst(%arg7 : memref<20480xf32, #tpu.memory_space<vmem>>)
    %dma_wait3A = tpu.memref_slice %arg3[%mul3A_2] : memref<320000xi32, #tpu.memory_space<hbm>> -> memref<10000xi32, #tpu.memory_space<hbm>>
    %dma_wait3A_6 = tpu.memref_slice %arg3[%mul3A_2] : memref<320000xi32, #tpu.memory_space<hbm>> -> memref<10000xi32, #tpu.memory_space<hbm>>
    tpu.wait_dma2 semaphore(%arg13 : memref<!tpu.dma_semaphore, #tpu.memory_space<semaphore_mem>>) src(%dma_wait3A_6 : memref<10000xi32, #tpu.memory_space<hbm>>) dst(%arg9 : memref<10000xi32, #tpu.memory_space<vmem>>)
    %dma_wait3A_7 = tpu.memref_slice %arg4[%mul3A_2] : memref<320000xi32, #tpu.memory_space<hbm>> -> memref<10000xi32, #tpu.memory_space<hbm>>
    %dma_wait3A_8 = tpu.memref_slice %arg4[%mul3A_2] : memref<320000xi32, #tpu.memory_space<hbm>> -> memref<10000xi32, #tpu.memory_space<hbm>>
    tpu.wait_dma2 semaphore(%arg14 : memref<!tpu.dma_semaphore, #tpu.memory_space<semaphore_mem>>) src(%dma_wait3A_8 : memref<10000xi32, #tpu.memory_space<hbm>>) dst(%arg10 : memref<10000xi32, #tpu.memory_space<vmem>>)
    %broadcast_in_dim3A = arith.constant 1 : i32
    %broadcast_in_dim3A_9 = vector.broadcast %broadcast_in_dim3A : i32 to vector<16xi32>
    %scan3A = arith.constant 0 : i32
    %scan3A_10 = arith.constant 0 : i32
    %scan3A_11 = arith.constant 625 : i32
    %scan3A_12 = arith.addi %scan3A_10, %scan3A_11 : i32
    %scan3A_13 = arith.constant 1 : i32
    scf.for %scan3A_15 = %scan3A_10 to %scan3A_12 step %scan3A_13  : i32 {
      %mul3A_16 = arith.constant 16 : i32
      %mul3A_17 = arith.muli %scan3A_15, %mul3A_16 : i32
      %get3A = arith.index_cast %mul3A_17 : i32 to index
      %get3A_18 = tpu.vector_load %arg9[%get3A] {strides = array<i32>} : memref<10000xi32, #tpu.memory_space<vmem>>, vector<16xi32>,
      %mul3A_19 = arith.constant 2 : i32
      %mul3A_20 = vector.broadcast %mul3A_19 : i32 to vector<16xi32>
      %mul3A_21 = arith.muli %get3A_18, %mul3A_20 : vector<16xi32>
      %get3A_22 = arith.index_cast %mul3A_17 : i32 to index
      %get3A_23 = tpu.vector_load %arg10[%get3A_22] {strides = array<i32>} : memref<10000xi32, #tpu.memory_space<vmem>>, vector<16xi32>,
      %mul3A_24 = arith.constant 2 : i32
      %mul3A_25 = vector.broadcast %mul3A_24 : i32 to vector<16xi32>
      %mul3A_26 = arith.muli %get3A_23, %mul3A_25 : vector<16xi32>
      %gather3A = tpu.vector_load_idx %arg7[%mul3A_21] : memref<20480xf32, #tpu.memory_space<vmem>>[vector<16xi32>], vector<16xf32>,
      %add3A_27 = arith.addi %mul3A_21, %broadcast_in_dim3A_9 : vector<16xi32>
      %gather3A_28 = tpu.vector_load_idx %arg7[%add3A_27] : memref<20480xf32, #tpu.memory_space<vmem>>[vector<16xi32>], vector<16xf32>,
      tpu.vector_store_idx %arg8[%mul3A_26], %gather3A {add = true} : memref<20480xf32, #tpu.memory_space<vmem>>[vector<16xi32>], vector<16xf32>,
      %add3A_29 = arith.addi %mul3A_26, %broadcast_in_dim3A_9 : vector<16xi32>
      tpu.vector_store_idx %arg8[%add3A_29], %gather3A_28 {add = true} : memref<20480xf32, #tpu.memory_space<vmem>>[vector<16xi32>], vector<16xf32>,
    }
    %scan3A_14 = arith.constant 625 : i32
    "tpu.region"() ({
      %run_scoped3A = tpu.sem_alloc : memref<!tpu.dma_semaphore, #tpu.memory_space<semaphore_mem>>
      %dma_start3A_15 = arith.constant 0 : i32
      %dma_start3A_16 = tpu.memref_slice %arg6[%add3A, %dma_start3A_15] : memref<32x20480xf32, #tpu.memory_space<hbm>> -> memref<1x20480xf32, #tpu.memory_space<hbm>>
      %dma_start3A_17 = tpu.memref_squeeze %dma_start3A_16 : memref<1x20480xf32, #tpu.memory_space<hbm>> -> memref<20480xf32, #tpu.memory_space<hbm>>
      %dma_start3A_18 = arith.constant 0 : i32
      %dma_start3A_19 = tpu.memref_slice %arg6[%add3A, %dma_start3A_18] : memref<32x20480xf32, #tpu.memory_space<hbm>> -> memref<1x20480xf32, #tpu.memory_space<hbm>>
      %dma_start3A_20 = tpu.memref_squeeze %dma_start3A_19 : memref<1x20480xf32, #tpu.memory_space<hbm>> -> memref<20480xf32, #tpu.memory_space<hbm>>
      tpu.enqueue_dma source(%arg8 : memref<20480xf32, #tpu.memory_space<vmem>>) target(%dma_start3A_20 : memref<20480xf32, #tpu.memory_space<hbm>>) target_semaphore(%run_scoped3A : memref<!tpu.dma_semaphore, #tpu.memory_space<semaphore_mem>>)
      %dma_wait3A_21 = arith.constant 0 : i32
      %dma_wait3A_22 = tpu.memref_slice %arg6[%add3A, %dma_wait3A_21] : memref<32x20480xf32, #tpu.memory_space<hbm>> -> memref<1x20480xf32, #tpu.memory_space<hbm>>
      %dma_wait3A_23 = tpu.memref_squeeze %dma_wait3A_22 : memref<1x20480xf32, #tpu.memory_space<hbm>> -> memref<20480xf32, #tpu.memory_space<hbm>>
      %dma_wait3A_24 = arith.constant 0 : i32
      %dma_wait3A_25 = tpu.memref_slice %arg6[%add3A, %dma_wait3A_24] : memref<32x20480xf32, #tpu.memory_space<hbm>> -> memref<1x20480xf32, #tpu.memory_space<hbm>>
      %dma_wait3A_26 = tpu.memref_squeeze %dma_wait3A_25 : memref<1x20480xf32, #tpu.memory_space<hbm>> -> memref<20480xf32, #tpu.memory_space<hbm>>
      tpu.wait_dma2 semaphore(%run_scoped3A : memref<!tpu.dma_semaphore, #tpu.memory_space<semaphore_mem>>) src(%arg8 : memref<20480xf32, #tpu.memory_space<vmem>>) dst(%dma_wait3A_26 : memref<20480xf32, #tpu.memory_space<hbm>>)
      tpu.yield
    }) : () -> ()
    return
  }
}

#map = affine_map<(d0, d1) -> (0, 0)>
#map1 = affine_map<(d0, d1) -> (0, 0, 0)>
#map2 = affine_map<(d0, d1) -> (0)>
module attributes {stable_mosaic.version = 14 : i64} {
  func.func @k(%arg0: i32, %arg1: i32, %arg2: memref<10240x128xf32, #tpu.memory_space<hbm>>, %arg3: memref<32x125x80xi32, #tpu.memory_space<hbm>>, %arg4: memref<320000xi32, #tpu.memory_space<hbm>>, %arg5: memref<640x128xf32, #tpu.memory_space<hbm>>, %arg6: memref<2x10240x128xf32, #tpu.memory_space<hbm>>, %arg7: memref<125x80xi32, #tpu.memory_space<vmem>>, %arg8: memref<80xi32, #tpu.memory_space<vmem>>, %arg9: memref<80xi32, #tpu.memory_space<vmem>>, %arg10: memref<80xi32, #tpu.memory_space<vmem>>, %arg11: memref<3x80x128xf32, #tpu.memory_space<vmem>>, %arg12: memref<10240x128xf32, #tpu.memory_space<vmem_shared>>, %arg13: memref<!tpu.dma_semaphore, #tpu.memory_space<semaphore_mem>>, %arg14: memref<!tpu.dma_semaphore, #tpu.memory_space<semaphore_mem>>, %arg15: memref<!tpu.dma_semaphore, #tpu.memory_space<semaphore_mem>>, %arg16: memref<!tpu.dma_semaphore, #tpu.memory_space<semaphore_mem>>, %arg17: memref<!tpu.dma_semaphore, #tpu.memory_space<semaphore_mem>>, %arg18: memref<!tpu.dma_semaphore, #tpu.memory_space<semaphore_mem>>) attributes {dimension_semantics = [#tpu.dimension_semantics<core_parallel>, #tpu.dimension_semantics<subcore_parallel>], iteration_bounds = array<i64: 2, 16>, scalar_prefetch = 0 : i64, scratch_operands = 12 : i64, tpu.core_type = #tpu.core_type<sc_vector_subcore>, window_params = [{transform_indices = #map}, {transform_indices = #map1}, {transform_indices = #map2}, {transform_indices = #map}, {transform_indices = #map1}]} {
    %mul3A = arith.constant 2 : i32
    %mul3A_0 = arith.muli %arg1, %mul3A : i32
    %add3A = arith.addi %mul3A_0, %arg0 : i32
    %mul3A_1 = arith.constant 640 : i32
    %mul3A_2 = arith.muli %arg1, %mul3A_1 : i32
    "tpu.region"() ({
      %run_scoped3A_205 = tpu.sem_alloc : memref<!tpu.dma_semaphore, #tpu.memory_space<semaphore_mem>>
      %dma_start3A_206 = arith.constant 0 : i32
      %dma_start3A_207 = tpu.memref_slice %arg12[%mul3A_2, %dma_start3A_206] : memref<10240x128xf32, #tpu.memory_space<vmem_shared>> -> memref<640x128xf32, #tpu.memory_space<vmem_shared>>
      tpu.enqueue_dma source(%arg5 : memref<640x128xf32, #tpu.memory_space<hbm>>) target(%dma_start3A_207 : memref<640x128xf32, #tpu.memory_space<vmem_shared>>) target_semaphore(%run_scoped3A_205 : memref<!tpu.dma_semaphore, #tpu.memory_space<semaphore_mem>>)
      %dma_wait3A_208 = arith.constant 0 : i32
      %dma_wait3A_209 = tpu.memref_slice %arg12[%mul3A_2, %dma_wait3A_208] : memref<10240x128xf32, #tpu.memory_space<vmem_shared>> -> memref<640x128xf32, #tpu.memory_space<vmem_shared>>
      tpu.wait_dma2 semaphore(%run_scoped3A_205 : memref<!tpu.dma_semaphore, #tpu.memory_space<semaphore_mem>>) src(%arg5 : memref<640x128xf32, #tpu.memory_space<hbm>>) dst(%dma_wait3A_209 : memref<640x128xf32, #tpu.memory_space<vmem_shared>>)
      tpu.yield
    }) : () -> ()
    "tpu.region"() ({
      %run_scoped3A_205 = tpu.sem_alloc : memref<!tpu.dma_semaphore, #tpu.memory_space<semaphore_mem>>
      %dma_start3A_206 = arith.constant 0 : i32
      %dma_start3A_207 = arith.constant 0 : i32
      %dma_start3A_208 = tpu.memref_slice %arg3[%add3A, %dma_start3A_206, %dma_start3A_207] : memref<32x125x80xi32, #tpu.memory_space<hbm>> -> memref<1x125x80xi32, #tpu.memory_space<hbm>>
      %dma_start3A_209 = tpu.memref_squeeze %dma_start3A_208 : memref<1x125x80xi32, #tpu.memory_space<hbm>> -> memref<125x80xi32, #tpu.memory_space<hbm>>
      %dma_start3A_210 = arith.constant 0 : i32
      %dma_start3A_211 = arith.constant 0 : i32
      %dma_start3A_212 = tpu.memref_slice %arg3[%add3A, %dma_start3A_210, %dma_start3A_211] : memref<32x125x80xi32, #tpu.memory_space<hbm>> -> memref<1x125x80xi32, #tpu.memory_space<hbm>>
      %dma_start3A_213 = tpu.memref_squeeze %dma_start3A_212 : memref<1x125x80xi32, #tpu.memory_space<hbm>> -> memref<125x80xi32, #tpu.memory_space<hbm>>
      tpu.enqueue_dma source(%dma_start3A_213 : memref<125x80xi32, #tpu.memory_space<hbm>>) target(%arg7 : memref<125x80xi32, #tpu.memory_space<vmem>>) target_semaphore(%run_scoped3A_205 : memref<!tpu.dma_semaphore, #tpu.memory_space<semaphore_mem>>)
      %dma_wait3A_214 = arith.constant 0 : i32
      %dma_wait3A_215 = arith.constant 0 : i32
      %dma_wait3A_216 = tpu.memref_slice %arg3[%add3A, %dma_wait3A_214, %dma_wait3A_215] : memref<32x125x80xi32, #tpu.memory_space<hbm>> -> memref<1x125x80xi32, #tpu.memory_space<hbm>>
      %dma_wait3A_217 = tpu.memref_squeeze %dma_wait3A_216 : memref<1x125x80xi32, #tpu.memory_space<hbm>> -> memref<125x80xi32, #tpu.memory_space<hbm>>
      %dma_wait3A_218 = arith.constant 0 : i32
      %dma_wait3A_219 = arith.constant 0 : i32
      %dma_wait3A_220 = tpu.memref_slice %arg3[%add3A, %dma_wait3A_218, %dma_wait3A_219] : memref<32x125x80xi32, #tpu.memory_space<hbm>> -> memref<1x125x80xi32, #tpu.memory_space<hbm>>
      %dma_wait3A_221 = tpu.memref_squeeze %dma_wait3A_220 : memref<1x125x80xi32, #tpu.memory_space<hbm>> -> memref<125x80xi32, #tpu.memory_space<hbm>>
      tpu.wait_dma2 semaphore(%run_scoped3A_205 : memref<!tpu.dma_semaphore, #tpu.memory_space<semaphore_mem>>) src(%dma_wait3A_221 : memref<125x80xi32, #tpu.memory_space<hbm>>) dst(%arg7 : memref<125x80xi32, #tpu.memory_space<vmem>>)
      tpu.yield
    }) : () -> ()
    %barrier3A = arith.constant 0 : index
    tpu.barrier barrier_id(%barrier3A)
    %mul3A_3 = arith.constant 10000 : i32
    %mul3A_4 = arith.muli %add3A, %mul3A_3 : i32
    %min3A = arith.constant 0 : i32
    %min3A_5 = arith.constant 124 : i32
    %min3A_6 = arith.minsi %min3A, %min3A_5 : i32
    %mul3A_7 = arith.constant 80 : i32
    %mul3A_8 = arith.muli %min3A_6, %mul3A_7 : i32
    %add3A_9 = arith.addi %mul3A_4, %mul3A_8 : i32
    %dma_start3A = tpu.memref_slice %arg4[%add3A_9] : memref<320000xi32, #tpu.memory_space<hbm>> -> memref<80xi32, #tpu.memory_space<hbm>>
    %dma_start3A_10 = tpu.memref_slice %arg4[%add3A_9] : memref<320000xi32, #tpu.memory_space<hbm>> -> memref<80xi32, #tpu.memory_space<hbm>>
    tpu.enqueue_dma source(%dma_start3A_10 : memref<80xi32, #tpu.memory_space<hbm>>) target(%arg8 : memref<80xi32, #tpu.memory_space<vmem>>) target_semaphore(%arg16 : memref<!tpu.dma_semaphore, #tpu.memory_space<semaphore_mem>>)
    %min3A_11 = arith.constant 1 : i32
    %min3A_12 = arith.constant 124 : i32
    %min3A_13 = arith.minsi %min3A_11, %min3A_12 : i32
    %mul3A_14 = arith.constant 80 : i32
    %mul3A_15 = arith.muli %min3A_13, %mul3A_14 : i32
    %add3A_16 = arith.addi %mul3A_4, %mul3A_15 : i32
    %dma_start3A_17 = tpu.memref_slice %arg4[%add3A_16] : memref<320000xi32, #tpu.memory_space<hbm>> -> memref<80xi32, #tpu.memory_space<hbm>>
    %dma_start3A_18 = tpu.memref_slice %arg4[%add3A_16] : memref<320000xi32, #tpu.memory_space<hbm>> -> memref<80xi32, #tpu.memory_space<hbm>>
    tpu.enqueue_dma source(%dma_start3A_18 : memref<80xi32, #tpu.memory_space<hbm>>) target(%arg9 : memref<80xi32, #tpu.memory_space<vmem>>) target_semaphore(%arg17 : memref<!tpu.dma_semaphore, #tpu.memory_space<semaphore_mem>>)
    %min3A_19 = arith.constant 2 : i32
    %min3A_20 = arith.constant 124 : i32
    %min3A_21 = arith.minsi %min3A_19, %min3A_20 : i32
    %mul3A_22 = arith.constant 80 : i32
    %mul3A_23 = arith.muli %min3A_21, %mul3A_22 : i32
    %add3A_24 = arith.addi %mul3A_4, %mul3A_23 : i32
    %dma_start3A_25 = tpu.memref_slice %arg4[%add3A_24] : memref<320000xi32, #tpu.memory_space<hbm>> -> memref<80xi32, #tpu.memory_space<hbm>>
    %dma_start3A_26 = tpu.memref_slice %arg4[%add3A_24] : memref<320000xi32, #tpu.memory_space<hbm>> -> memref<80xi32, #tpu.memory_space<hbm>>
    tpu.enqueue_dma source(%dma_start3A_26 : memref<80xi32, #tpu.memory_space<hbm>>) target(%arg10 : memref<80xi32, #tpu.memory_space<vmem>>) target_semaphore(%arg18 : memref<!tpu.dma_semaphore, #tpu.memory_space<semaphore_mem>>)
    %min3A_27 = arith.constant 0 : i32
    %min3A_28 = arith.constant 124 : i32
    %min3A_29 = arith.minsi %min3A_27, %min3A_28 : i32
    %dma_start3A_30 = arith.constant 0 : i32
    %dma_start3A_31 = arith.constant 0 : i32
    %dma_start3A_32 = arith.constant 0 : i32
    %dma_start3A_33 = tpu.memref_slice %arg11[%dma_start3A_30, %dma_start3A_31, %dma_start3A_32] : memref<3x80x128xf32, #tpu.memory_space<vmem>> -> memref<1x80x128xf32, #tpu.memory_space<vmem>>
    %dma_start3A_34 = tpu.memref_squeeze %dma_start3A_33 : memref<1x80x128xf32, #tpu.memory_space<vmem>> -> memref<80x128xf32, #tpu.memory_space<vmem>>
    %dma_start3A_35 = arith.constant 0 : i32
    %dma_start3A_36 = tpu.memref_slice %arg7[%min3A_29, %dma_start3A_35] : memref<125x80xi32, #tpu.memory_space<vmem>> -> memref<1x80xi32, #tpu.memory_space<vmem>>
    %dma_start3A_37 = tpu.memref_squeeze %dma_start3A_36 : memref<1x80xi32, #tpu.memory_space<vmem>> -> memref<80xi32, #tpu.memory_space<vmem>>
    %dma_start3A_38 = arith.constant 0 : i32
    %dma_start3A_39 = arith.constant 0 : i32
    %dma_start3A_40 = tpu.memref_slice %arg2[%dma_start3A_38, %dma_start3A_39] : memref<10240x128xf32, #tpu.memory_space<hbm>> -> memref<10240x128xf32, #tpu.memory_space<hbm>>
    tpu.enqueue_indirect_dma source(%dma_start3A_40 : memref<10240x128xf32, #tpu.memory_space<hbm>>) target(%dma_start3A_34 : memref<80x128xf32, #tpu.memory_space<vmem>>) offsets(%dma_start3A_37 : memref<80xi32, #tpu.memory_space<vmem>>) semaphore(%arg13 : memref<!tpu.dma_semaphore, #tpu.memory_space<semaphore_mem>>)
    %min3A_41 = arith.constant 1 : i32
    %min3A_42 = arith.constant 124 : i32
    %min3A_43 = arith.minsi %min3A_41, %min3A_42 : i32
    %dma_start3A_44 = arith.constant 1 : i32
    %dma_start3A_45 = arith.constant 0 : i32
    %dma_start3A_46 = arith.constant 0 : i32
    %dma_start3A_47 = tpu.memref_slice %arg11[%dma_start3A_44, %dma_start3A_45, %dma_start3A_46] : memref<3x80x128xf32, #tpu.memory_space<vmem>> -> memref<1x80x128xf32, #tpu.memory_space<vmem>>
    %dma_start3A_48 = tpu.memref_squeeze %dma_start3A_47 : memref<1x80x128xf32, #tpu.memory_space<vmem>> -> memref<80x128xf32, #tpu.memory_space<vmem>>
    %dma_start3A_49 = arith.constant 0 : i32
    %dma_start3A_50 = tpu.memref_slice %arg7[%min3A_43, %dma_start3A_49] : memref<125x80xi32, #tpu.memory_space<vmem>> -> memref<1x80xi32, #tpu.memory_space<vmem>>
    %dma_start3A_51 = tpu.memref_squeeze %dma_start3A_50 : memref<1x80xi32, #tpu.memory_space<vmem>> -> memref<80xi32, #tpu.memory_space<vmem>>
    %dma_start3A_52 = arith.constant 0 : i32
    %dma_start3A_53 = arith.constant 0 : i32
    %dma_start3A_54 = tpu.memref_slice %arg2[%dma_start3A_52, %dma_start3A_53] : memref<10240x128xf32, #tpu.memory_space<hbm>> -> memref<10240x128xf32, #tpu.memory_space<hbm>>
    tpu.enqueue_indirect_dma source(%dma_start3A_54 : memref<10240x128xf32, #tpu.memory_space<hbm>>) target(%dma_start3A_48 : memref<80x128xf32, #tpu.memory_space<vmem>>) offsets(%dma_start3A_51 : memref<80xi32, #tpu.memory_space<vmem>>) semaphore(%arg14 : memref<!tpu.dma_semaphore, #tpu.memory_space<semaphore_mem>>)
    %min3A_55 = arith.constant 2 : i32
    %min3A_56 = arith.constant 124 : i32
    %min3A_57 = arith.minsi %min3A_55, %min3A_56 : i32
    %dma_start3A_58 = arith.constant 2 : i32
    %dma_start3A_59 = arith.constant 0 : i32
    %dma_start3A_60 = arith.constant 0 : i32
    %dma_start3A_61 = tpu.memref_slice %arg11[%dma_start3A_58, %dma_start3A_59, %dma_start3A_60] : memref<3x80x128xf32, #tpu.memory_space<vmem>> -> memref<1x80x128xf32, #tpu.memory_space<vmem>>
    %dma_start3A_62 = tpu.memref_squeeze %dma_start3A_61 : memref<1x80x128xf32, #tpu.memory_space<vmem>> -> memref<80x128xf32, #tpu.memory_space<vmem>>
    %dma_start3A_63 = arith.constant 0 : i32
    %dma_start3A_64 = tpu.memref_slice %arg7[%min3A_57, %dma_start3A_63] : memref<125x80xi32, #tpu.memory_space<vmem>> -> memref<1x80xi32, #tpu.memory_space<vmem>>
    %dma_start3A_65 = tpu.memref_squeeze %dma_start3A_64 : memref<1x80xi32, #tpu.memory_space<vmem>> -> memref<80xi32, #tpu.memory_space<vmem>>
    %dma_start3A_66 = arith.constant 0 : i32
    %dma_start3A_67 = arith.constant 0 : i32
    %dma_start3A_68 = tpu.memref_slice %arg2[%dma_start3A_66, %dma_start3A_67] : memref<10240x128xf32, #tpu.memory_space<hbm>> -> memref<10240x128xf32, #tpu.memory_space<hbm>>
    tpu.enqueue_indirect_dma source(%dma_start3A_68 : memref<10240x128xf32, #tpu.memory_space<hbm>>) target(%dma_start3A_62 : memref<80x128xf32, #tpu.memory_space<vmem>>) offsets(%dma_start3A_65 : memref<80xi32, #tpu.memory_space<vmem>>) semaphore(%arg15 : memref<!tpu.dma_semaphore, #tpu.memory_space<semaphore_mem>>)
    %min3A_69 = arith.constant 0 : i32
    %min3A_70 = arith.constant 124 : i32
    %min3A_71 = arith.minsi %min3A_69, %min3A_70 : i32
    %dma_wait3A = arith.constant 0 : i32
    %dma_wait3A_72 = arith.constant 0 : i32
    %dma_wait3A_73 = arith.constant 0 : i32
    %dma_wait3A_74 = tpu.memref_slice %arg11[%dma_wait3A, %dma_wait3A_72, %dma_wait3A_73] : memref<3x80x128xf32, #tpu.memory_space<vmem>> -> memref<1x80x128xf32, #tpu.memory_space<vmem>>
    %dma_wait3A_75 = tpu.memref_squeeze %dma_wait3A_74 : memref<1x80x128xf32, #tpu.memory_space<vmem>> -> memref<80x128xf32, #tpu.memory_space<vmem>>
    %dma_wait3A_76 = arith.constant 0 : i32
    %dma_wait3A_77 = tpu.memref_slice %arg7[%min3A_71, %dma_wait3A_76] : memref<125x80xi32, #tpu.memory_space<vmem>> -> memref<1x80xi32, #tpu.memory_space<vmem>>
    %dma_wait3A_78 = tpu.memref_squeeze %dma_wait3A_77 : memref<1x80xi32, #tpu.memory_space<vmem>> -> memref<80xi32, #tpu.memory_space<vmem>>
    %dma_wait3A_79 = arith.constant 0 : i32
    %dma_wait3A_80 = arith.constant 0 : i32
    %dma_wait3A_81 = tpu.memref_slice %arg2[%dma_wait3A_79, %dma_wait3A_80] : memref<10240x128xf32, #tpu.memory_space<hbm>> -> memref<10240x128xf32, #tpu.memory_space<hbm>>
    tpu.wait_indirect_dma semaphore(%arg13 : memref<!tpu.dma_semaphore, #tpu.memory_space<semaphore_mem>>) src(%dma_wait3A_81 : memref<10240x128xf32, #tpu.memory_space<hbm>>) dst(%dma_wait3A_75 : memref<80x128xf32, #tpu.memory_space<vmem>>)
    %min3A_82 = arith.constant 0 : i32
    %min3A_83 = arith.constant 124 : i32
    %min3A_84 = arith.minsi %min3A_82, %min3A_83 : i32
    %mul3A_85 = arith.constant 80 : i32
    %mul3A_86 = arith.muli %min3A_84, %mul3A_85 : i32
    %add3A_87 = arith.addi %mul3A_4, %mul3A_86 : i32
    %dma_wait3A_88 = tpu.memref_slice %arg4[%add3A_87] : memref<320000xi32, #tpu.memory_space<hbm>> -> memref<80xi32, #tpu.memory_space<hbm>>
    %dma_wait3A_89 = tpu.memref_slice %arg4[%add3A_87] : memref<320000xi32, #tpu.memory_space<hbm>> -> memref<80xi32, #tpu.memory_space<hbm>>
    tpu.wait_dma2 semaphore(%arg16 : memref<!tpu.dma_semaphore, #tpu.memory_space<semaphore_mem>>) src(%dma_wait3A_89 : memref<80xi32, #tpu.memory_space<hbm>>) dst(%arg8 : memref<80xi32, #tpu.memory_space<vmem>>)
    %run_scoped3A = arith.constant 0 : i32
    "tpu.region"() ({
      %run_scoped3A_205 = tpu.sem_alloc : memref<!tpu.dma_semaphore, #tpu.memory_space<semaphore_mem>>
      %dma_start3A_206 = arith.constant 0 : i32
      %dma_start3A_207 = arith.constant 0 : i32
      %dma_start3A_208 = tpu.memref_slice %arg11[%run_scoped3A, %dma_start3A_206, %dma_start3A_207] : memref<3x80x128xf32, #tpu.memory_space<vmem>> -> memref<1x80x128xf32, #tpu.memory_space<vmem>>
      %dma_start3A_209 = tpu.memref_squeeze %dma_start3A_208 : memref<1x80x128xf32, #tpu.memory_space<vmem>> -> memref<80x128xf32, #tpu.memory_space<vmem>>
      %dma_start3A_210 = arith.constant 0 : i32
      %dma_start3A_211 = arith.constant 0 : i32
      %dma_start3A_212 = tpu.memref_slice %arg12[%dma_start3A_210, %dma_start3A_211] : memref<10240x128xf32, #tpu.memory_space<vmem_shared>> -> memref<10240x128xf32, #tpu.memory_space<vmem_shared>>
      tpu.enqueue_indirect_dma source(%dma_start3A_209 : memref<80x128xf32, #tpu.memory_space<vmem>>) target(%dma_start3A_212 : memref<10240x128xf32, #tpu.memory_space<vmem_shared>>) offsets(%arg8 : memref<80xi32, #tpu.memory_space<vmem>>) semaphore(%run_scoped3A_205 : memref<!tpu.dma_semaphore, #tpu.memory_space<semaphore_mem>>) {add = true}
      %dma_wait3A_213 = arith.constant 0 : i32
      %dma_wait3A_214 = arith.constant 0 : i32
      %dma_wait3A_215 = tpu.memref_slice %arg11[%run_scoped3A, %dma_wait3A_213, %dma_wait3A_214] : memref<3x80x128xf32, #tpu.memory_space<vmem>> -> memref<1x80x128xf32, #tpu.memory_space<vmem>>
      %dma_wait3A_216 = tpu.memref_squeeze %dma_wait3A_215 : memref<1x80x128xf32, #tpu.memory_space<vmem>> -> memref<80x128xf32, #tpu.memory_space<vmem>>
      %dma_wait3A_217 = arith.constant 0 : i32
      %dma_wait3A_218 = arith.constant 0 : i32
      %dma_wait3A_219 = tpu.memref_slice %arg12[%dma_wait3A_217, %dma_wait3A_218] : memref<10240x128xf32, #tpu.memory_space<vmem_shared>> -> memref<10240x128xf32, #tpu.memory_space<vmem_shared>>
      tpu.wait_indirect_dma semaphore(%run_scoped3A_205 : memref<!tpu.dma_semaphore, #tpu.memory_space<semaphore_mem>>) src(%dma_wait3A_216 : memref<80x128xf32, #tpu.memory_space<vmem>>) dst(%dma_wait3A_219 : memref<10240x128xf32, #tpu.memory_space<vmem_shared>>)
      tpu.yield
    }) : () -> ()
    %min3A_90 = arith.constant 3 : i32
    %min3A_91 = arith.constant 124 : i32
    %min3A_92 = arith.minsi %min3A_90, %min3A_91 : i32
    %mul3A_93 = arith.constant 80 : i32
    %mul3A_94 = arith.muli %min3A_92, %mul3A_93 : i32
    %add3A_95 = arith.addi %mul3A_4, %mul3A_94 : i32
    %dma_start3A_96 = tpu.memref_slice %arg4[%add3A_95] : memref<320000xi32, #tpu.memory_space<hbm>> -> memref<80xi32, #tpu.memory_space<hbm>>
    %dma_start3A_97 = tpu.memref_slice %arg4[%add3A_95] : memref<320000xi32, #tpu.memory_space<hbm>> -> memref<80xi32, #tpu.memory_space<hbm>>
    tpu.enqueue_dma source(%dma_start3A_97 : memref<80xi32, #tpu.memory_space<hbm>>) target(%arg8 : memref<80xi32, #tpu.memory_space<vmem>>) target_semaphore(%arg16 : memref<!tpu.dma_semaphore, #tpu.memory_space<semaphore_mem>>)
    %min3A_98 = arith.constant 3 : i32
    %min3A_99 = arith.constant 124 : i32
    %min3A_100 = arith.minsi %min3A_98, %min3A_99 : i32
    %dma_start3A_101 = arith.constant 0 : i32
    %dma_start3A_102 = arith.constant 0 : i32
    %dma_start3A_103 = arith.constant 0 : i32
    %dma_start3A_104 = tpu.memref_slice %arg11[%dma_start3A_101, %dma_start3A_102, %dma_start3A_103] : memref<3x80x128xf32, #tpu.memory_space<vmem>> -> memref<1x80x128xf32, #tpu.memory_space<vmem>>
    %dma_start3A_105 = tpu.memref_squeeze %dma_start3A_104 : memref<1x80x128xf32, #tpu.memory_space<vmem>> -> memref<80x128xf32, #tpu.memory_space<vmem>>
    %dma_start3A_106 = arith.constant 0 : i32
    %dma_start3A_107 = tpu.memref_slice %arg7[%min3A_100, %dma_start3A_106] : memref<125x80xi32, #tpu.memory_space<vmem>> -> memref<1x80xi32, #tpu.memory_space<vmem>>
    %dma_start3A_108 = tpu.memref_squeeze %dma_start3A_107 : memref<1x80xi32, #tpu.memory_space<vmem>> -> memref<80xi32, #tpu.memory_space<vmem>>
    %dma_start3A_109 = arith.constant 0 : i32
    %dma_start3A_110 = arith.constant 0 : i32
    %dma_start3A_111 = tpu.memref_slice %arg2[%dma_start3A_109, %dma_start3A_110] : memref<10240x128xf32, #tpu.memory_space<hbm>> -> memref<10240x128xf32, #tpu.memory_space<hbm>>
    tpu.enqueue_indirect_dma source(%dma_start3A_111 : memref<10240x128xf32, #tpu.memory_space<hbm>>) target(%dma_start3A_105 : memref<80x128xf32, #tpu.memory_space<vmem>>) offsets(%dma_start3A_108 : memref<80xi32, #tpu.memory_space<vmem>>) semaphore(%arg13 : memref<!tpu.dma_semaphore, #tpu.memory_space<semaphore_mem>>)
    %min3A_112 = arith.constant 1 : i32
    %min3A_113 = arith.constant 124 : i32
    %min3A_114 = arith.minsi %min3A_112, %min3A_113 : i32
    %dma_wait3A_115 = arith.constant 1 : i32
    %dma_wait3A_116 = arith.constant 0 : i32
    %dma_wait3A_117 = arith.constant 0 : i32
    %dma_wait3A_118 = tpu.memref_slice %arg11[%dma_wait3A_115, %dma_wait3A_116, %dma_wait3A_117] : memref<3x80x128xf32, #tpu.memory_space<vmem>> -> memref<1x80x128xf32, #tpu.memory_space<vmem>>
    %dma_wait3A_119 = tpu.memref_squeeze %dma_wait3A_118 : memref<1x80x128xf32, #tpu.memory_space<vmem>> -> memref<80x128xf32, #tpu.memory_space<vmem>>
    %dma_wait3A_120 = arith.constant 0 : i32
    %dma_wait3A_121 = tpu.memref_slice %arg7[%min3A_114, %dma_wait3A_120] : memref<125x80xi32, #tpu.memory_space<vmem>> -> memref<1x80xi32, #tpu.memory_space<vmem>>
    %dma_wait3A_122 = tpu.memref_squeeze %dma_wait3A_121 : memref<1x80xi32, #tpu.memory_space<vmem>> -> memref<80xi32, #tpu.memory_space<vmem>>
    %dma_wait3A_123 = arith.constant 0 : i32
    %dma_wait3A_124 = arith.constant 0 : i32
    %dma_wait3A_125 = tpu.memref_slice %arg2[%dma_wait3A_123, %dma_wait3A_124] : memref<10240x128xf32, #tpu.memory_space<hbm>> -> memref<10240x128xf32, #tpu.memory_space<hbm>>
    tpu.wait_indirect_dma semaphore(%arg14 : memref<!tpu.dma_semaphore, #tpu.memory_space<semaphore_mem>>) src(%dma_wait3A_125 : memref<10240x128xf32, #tpu.memory_space<hbm>>) dst(%dma_wait3A_119 : memref<80x128xf32, #tpu.memory_space<vmem>>)
    %min3A_126 = arith.constant 1 : i32
    %min3A_127 = arith.constant 124 : i32
    %min3A_128 = arith.minsi %min3A_126, %min3A_127 : i32
    %mul3A_129 = arith.constant 80 : i32
    %mul3A_130 = arith.muli %min3A_128, %mul3A_129 : i32
    %add3A_131 = arith.addi %mul3A_4, %mul3A_130 : i32
    %dma_wait3A_132 = tpu.memref_slice %arg4[%add3A_131] : memref<320000xi32, #tpu.memory_space<hbm>> -> memref<80xi32, #tpu.memory_space<hbm>>
    %dma_wait3A_133 = tpu.memref_slice %arg4[%add3A_131] : memref<320000xi32, #tpu.memory_space<hbm>> -> memref<80xi32, #tpu.memory_space<hbm>>
    tpu.wait_dma2 semaphore(%arg17 : memref<!tpu.dma_semaphore, #tpu.memory_space<semaphore_mem>>) src(%dma_wait3A_133 : memref<80xi32, #tpu.memory_space<hbm>>) dst(%arg9 : memref<80xi32, #tpu.memory_space<vmem>>)
    %run_scoped3A_134 = arith.constant 1 : i32
    "tpu.region"() ({
      %run_scoped3A_205 = tpu.sem_alloc : memref<!tpu.dma_semaphore, #tpu.memory_space<semaphore_mem>>
      %dma_start3A_206 = arith.constant 0 : i32
      %dma_start3A_207 = arith.constant 0 : i32
      %dma_start3A_208 = tpu.memref_slice %arg11[%run_scoped3A_134, %dma_start3A_206, %dma_start3A_207] : memref<3x80x128xf32, #tpu.memory_space<vmem>> -> memref<1x80x128xf32, #tpu.memory_space<vmem>>
      %dma_start3A_209 = tpu.memref_squeeze %dma_start3A_208 : memref<1x80x128xf32, #tpu.memory_space<vmem>> -> memref<80x128xf32, #tpu.memory_space<vmem>>
      %dma_start3A_210 = arith.constant 0 : i32
      %dma_start3A_211 = arith.constant 0 : i32
      %dma_start3A_212 = tpu.memref_slice %arg12[%dma_start3A_210, %dma_start3A_211] : memref<10240x128xf32, #tpu.memory_space<vmem_shared>> -> memref<10240x128xf32, #tpu.memory_space<vmem_shared>>
      tpu.enqueue_indirect_dma source(%dma_start3A_209 : memref<80x128xf32, #tpu.memory_space<vmem>>) target(%dma_start3A_212 : memref<10240x128xf32, #tpu.memory_space<vmem_shared>>) offsets(%arg9 : memref<80xi32, #tpu.memory_space<vmem>>) semaphore(%run_scoped3A_205 : memref<!tpu.dma_semaphore, #tpu.memory_space<semaphore_mem>>) {add = true}
      %dma_wait3A_213 = arith.constant 0 : i32
      %dma_wait3A_214 = arith.constant 0 : i32
      %dma_wait3A_215 = tpu.memref_slice %arg11[%run_scoped3A_134, %dma_wait3A_213, %dma_wait3A_214] : memref<3x80x128xf32, #tpu.memory_space<vmem>> -> memref<1x80x128xf32, #tpu.memory_space<vmem>>
      %dma_wait3A_216 = tpu.memref_squeeze %dma_wait3A_215 : memref<1x80x128xf32, #tpu.memory_space<vmem>> -> memref<80x128xf32, #tpu.memory_space<vmem>>
      %dma_wait3A_217 = arith.constant 0 : i32
      %dma_wait3A_218 = arith.constant 0 : i32
      %dma_wait3A_219 = tpu.memref_slice %arg12[%dma_wait3A_217, %dma_wait3A_218] : memref<10240x128xf32, #tpu.memory_space<vmem_shared>> -> memref<10240x128xf32, #tpu.memory_space<vmem_shared>>
      tpu.wait_indirect_dma semaphore(%run_scoped3A_205 : memref<!tpu.dma_semaphore, #tpu.memory_space<semaphore_mem>>) src(%dma_wait3A_216 : memref<80x128xf32, #tpu.memory_space<vmem>>) dst(%dma_wait3A_219 : memref<10240x128xf32, #tpu.memory_space<vmem_shared>>)
      tpu.yield
    }) : () -> ()
    %min3A_135 = arith.constant 4 : i32
    %min3A_136 = arith.constant 124 : i32
    %min3A_137 = arith.minsi %min3A_135, %min3A_136 : i32
    %mul3A_138 = arith.constant 80 : i32
    %mul3A_139 = arith.muli %min3A_137, %mul3A_138 : i32
    %add3A_140 = arith.addi %mul3A_4, %mul3A_139 : i32
    %dma_start3A_141 = tpu.memref_slice %arg4[%add3A_140] : memref<320000xi32, #tpu.memory_space<hbm>> -> memref<80xi32, #tpu.memory_space<hbm>>
    %dma_start3A_142 = tpu.memref_slice %arg4[%add3A_140] : memref<320000xi32, #tpu.memory_space<hbm>> -> memref<80xi32, #tpu.memory_space<hbm>>
    tpu.enqueue_dma source(%dma_start3A_142 : memref<80xi32, #tpu.memory_space<hbm>>) target(%arg9 : memref<80xi32, #tpu.memory_space<vmem>>) target_semaphore(%arg17 : memref<!tpu.dma_semaphore, #tpu.memory_space<semaphore_mem>>)
    %scan3A = arith.constant 0 : i32
    %scan3A_143 = arith.constant 0 : i32
    %scan3A_144 = arith.constant 41 : i32
    %scan3A_145 = arith.addi %scan3A_143, %scan3A_144 : i32
    %scan3A_146 = arith.constant 1 : i32
    scf.for %scan3A_205 = %scan3A_143 to %scan3A_145 step %scan3A_146  : i32 {
      %mul3A_206 = arith.constant 3 : i32
      %mul3A_207 = arith.muli %mul3A_206, %scan3A_205 : i32
      %add3A_208 = arith.constant 2 : i32
      %add3A_209 = arith.addi %mul3A_207, %add3A_208 : i32
      %add3A_210 = arith.constant 2 : i32
      %add3A_211 = arith.addi %add3A_209, %add3A_210 : i32
      %min3A_212 = arith.constant 124 : i32
      %min3A_213 = arith.minsi %add3A_211, %min3A_212 : i32
      %dma_start3A_214 = arith.constant 1 : i32
      %dma_start3A_215 = arith.constant 0 : i32
      %dma_start3A_216 = arith.constant 0 : i32
      %dma_start3A_217 = tpu.memref_slice %arg11[%dma_start3A_214, %dma_start3A_215, %dma_start3A_216] : memref<3x80x128xf32, #tpu.memory_space<vmem>> -> memref<1x80x128xf32, #tpu.memory_space<vmem>>
      %dma_start3A_218 = tpu.memref_squeeze %dma_start3A_217 : memref<1x80x128xf32, #tpu.memory_space<vmem>> -> memref<80x128xf32, #tpu.memory_space<vmem>>
      %dma_start3A_219 = arith.constant 0 : i32
      %dma_start3A_220 = tpu.memref_slice %arg7[%min3A_213, %dma_start3A_219] : memref<125x80xi32, #tpu.memory_space<vmem>> -> memref<1x80xi32, #tpu.memory_space<vmem>>
      %dma_start3A_221 = tpu.memref_squeeze %dma_start3A_220 : memref<1x80xi32, #tpu.memory_space<vmem>> -> memref<80xi32, #tpu.memory_space<vmem>>
      %dma_start3A_222 = arith.constant 0 : i32
      %dma_start3A_223 = arith.constant 0 : i32
      %dma_start3A_224 = tpu.memref_slice %arg2[%dma_start3A_222, %dma_start3A_223] : memref<10240x128xf32, #tpu.memory_space<hbm>> -> memref<10240x128xf32, #tpu.memory_space<hbm>>
      tpu.enqueue_indirect_dma source(%dma_start3A_224 : memref<10240x128xf32, #tpu.memory_space<hbm>>) target(%dma_start3A_218 : memref<80x128xf32, #tpu.memory_space<vmem>>) offsets(%dma_start3A_221 : memref<80xi32, #tpu.memory_space<vmem>>) semaphore(%arg14 : memref<!tpu.dma_semaphore, #tpu.memory_space<semaphore_mem>>)
      %min3A_225 = arith.constant 124 : i32
      %min3A_226 = arith.minsi %add3A_209, %min3A_225 : i32
      %dma_wait3A_227 = arith.constant 2 : i32
      %dma_wait3A_228 = arith.constant 0 : i32
      %dma_wait3A_229 = arith.constant 0 : i32
      %dma_wait3A_230 = tpu.memref_slice %arg11[%dma_wait3A_227, %dma_wait3A_228, %dma_wait3A_229] : memref<3x80x128xf32, #tpu.memory_space<vmem>> -> memref<1x80x128xf32, #tpu.memory_space<vmem>>
      %dma_wait3A_231 = tpu.memref_squeeze %dma_wait3A_230 : memref<1x80x128xf32, #tpu.memory_space<vmem>> -> memref<80x128xf32, #tpu.memory_space<vmem>>
      %dma_wait3A_232 = arith.constant 0 : i32
      %dma_wait3A_233 = tpu.memref_slice %arg7[%min3A_226, %dma_wait3A_232] : memref<125x80xi32, #tpu.memory_space<vmem>> -> memref<1x80xi32, #tpu.memory_space<vmem>>
      %dma_wait3A_234 = tpu.memref_squeeze %dma_wait3A_233 : memref<1x80xi32, #tpu.memory_space<vmem>> -> memref<80xi32, #tpu.memory_space<vmem>>
      %dma_wait3A_235 = arith.constant 0 : i32
      %dma_wait3A_236 = arith.constant 0 : i32
      %dma_wait3A_237 = tpu.memref_slice %arg2[%dma_wait3A_235, %dma_wait3A_236] : memref<10240x128xf32, #tpu.memory_space<hbm>> -> memref<10240x128xf32, #tpu.memory_space<hbm>>
      tpu.wait_indirect_dma semaphore(%arg15 : memref<!tpu.dma_semaphore, #tpu.memory_space<semaphore_mem>>) src(%dma_wait3A_237 : memref<10240x128xf32, #tpu.memory_space<hbm>>) dst(%dma_wait3A_231 : memref<80x128xf32, #tpu.memory_space<vmem>>)
      %min3A_238 = arith.constant 124 : i32
      %min3A_239 = arith.minsi %add3A_209, %min3A_238 : i32
      %mul3A_240 = arith.constant 80 : i32
      %mul3A_241 = arith.muli %min3A_239, %mul3A_240 : i32
      %add3A_242 = arith.addi %mul3A_4, %mul3A_241 : i32
      %dma_wait3A_243 = tpu.memref_slice %arg4[%add3A_242] : memref<320000xi32, #tpu.memory_space<hbm>> -> memref<80xi32, #tpu.memory_space<hbm>>
      %dma_wait3A_244 = tpu.memref_slice %arg4[%add3A_242] : memref<320000xi32, #tpu.memory_space<hbm>> -> memref<80xi32, #tpu.memory_space<hbm>>
      tpu.wait_dma2 semaphore(%arg18 : memref<!tpu.dma_semaphore, #tpu.memory_space<semaphore_mem>>) src(%dma_wait3A_244 : memref<80xi32, #tpu.memory_space<hbm>>) dst(%arg10 : memref<80xi32, #tpu.memory_space<vmem>>)
      %run_scoped3A_245 = arith.constant 2 : i32
      "tpu.region"() ({
        %run_scoped3A_349 = tpu.sem_alloc : memref<!tpu.dma_semaphore, #tpu.memory_space<semaphore_mem>>
        %dma_start3A_350 = arith.constant 0 : i32
        %dma_start3A_351 = arith.constant 0 : i32
        %dma_start3A_352 = tpu.memref_slice %arg11[%run_scoped3A_245, %dma_start3A_350, %dma_start3A_351] : memref<3x80x128xf32, #tpu.memory_space<vmem>> -> memref<1x80x128xf32, #tpu.memory_space<vmem>>
        %dma_start3A_353 = tpu.memref_squeeze %dma_start3A_352 : memref<1x80x128xf32, #tpu.memory_space<vmem>> -> memref<80x128xf32, #tpu.memory_space<vmem>>
        %dma_start3A_354 = arith.constant 0 : i32
        %dma_start3A_355 = arith.constant 0 : i32
        %dma_start3A_356 = tpu.memref_slice %arg12[%dma_start3A_354, %dma_start3A_355] : memref<10240x128xf32, #tpu.memory_space<vmem_shared>> -> memref<10240x128xf32, #tpu.memory_space<vmem_shared>>
        tpu.enqueue_indirect_dma source(%dma_start3A_353 : memref<80x128xf32, #tpu.memory_space<vmem>>) target(%dma_start3A_356 : memref<10240x128xf32, #tpu.memory_space<vmem_shared>>) offsets(%arg10 : memref<80xi32, #tpu.memory_space<vmem>>) semaphore(%run_scoped3A_349 : memref<!tpu.dma_semaphore, #tpu.memory_space<semaphore_mem>>) {add = true}
        %dma_wait3A_357 = arith.constant 0 : i32
        %dma_wait3A_358 = arith.constant 0 : i32
        %dma_wait3A_359 = tpu.memref_slice %arg11[%run_scoped3A_245, %dma_wait3A_357, %dma_wait3A_358] : memref<3x80x128xf32, #tpu.memory_space<vmem>> -> memref<1x80x128xf32, #tpu.memory_space<vmem>>
        %dma_wait3A_360 = tpu.memref_squeeze %dma_wait3A_359 : memref<1x80x128xf32, #tpu.memory_space<vmem>> -> memref<80x128xf32, #tpu.memory_space<vmem>>
        %dma_wait3A_361 = arith.constant 0 : i32
        %dma_wait3A_362 = arith.constant 0 : i32
        %dma_wait3A_363 = tpu.memref_slice %arg12[%dma_wait3A_361, %dma_wait3A_362] : memref<10240x128xf32, #tpu.memory_space<vmem_shared>> -> memref<10240x128xf32, #tpu.memory_space<vmem_shared>>
        tpu.wait_indirect_dma semaphore(%run_scoped3A_349 : memref<!tpu.dma_semaphore, #tpu.memory_space<semaphore_mem>>) src(%dma_wait3A_360 : memref<80x128xf32, #tpu.memory_space<vmem>>) dst(%dma_wait3A_363 : memref<10240x128xf32, #tpu.memory_space<vmem_shared>>)
        tpu.yield
      }) : () -> ()
      %add3A_246 = arith.constant 3 : i32
      %add3A_247 = arith.addi %add3A_209, %add3A_246 : i32
      %min3A_248 = arith.constant 124 : i32
      %min3A_249 = arith.minsi %add3A_247, %min3A_248 : i32
      %mul3A_250 = arith.constant 80 : i32
      %mul3A_251 = arith.muli %min3A_249, %mul3A_250 : i32
      %add3A_252 = arith.addi %mul3A_4, %mul3A_251 : i32
      %dma_start3A_253 = tpu.memref_slice %arg4[%add3A_252] : memref<320000xi32, #tpu.memory_space<hbm>> -> memref<80xi32, #tpu.memory_space<hbm>>
      %dma_start3A_254 = tpu.memref_slice %arg4[%add3A_252] : memref<320000xi32, #tpu.memory_space<hbm>> -> memref<80xi32, #tpu.memory_space<hbm>>
      tpu.enqueue_dma source(%dma_start3A_254 : memref<80xi32, #tpu.memory_space<hbm>>) target(%arg10 : memref<80xi32, #tpu.memory_space<vmem>>) target_semaphore(%arg18 : memref<!tpu.dma_semaphore, #tpu.memory_space<semaphore_mem>>)
      %add3A_255 = arith.constant 1 : i32
      %add3A_256 = arith.addi %add3A_209, %add3A_255 : i32
      %add3A_257 = arith.constant 2 : i32
      %add3A_258 = arith.addi %add3A_256, %add3A_257 : i32
      %min3A_259 = arith.constant 124 : i32
      %min3A_260 = arith.minsi %add3A_258, %min3A_259 : i32
      %dma_start3A_261 = arith.constant 2 : i32
      %dma_start3A_262 = arith.constant 0 : i32
      %dma_start3A_263 = arith.constant 0 : i32
      %dma_start3A_264 = tpu.memref_slice %arg11[%dma_start3A_261, %dma_start3A_262, %dma_start3A_263] : memref<3x80x128xf32, #tpu.memory_space<vmem>> -> memref<1x80x128xf32, #tpu.memory_space<vmem>>
      %dma_start3A_265 = tpu.memref_squeeze %dma_start3A_264 : memref<1x80x128xf32, #tpu.memory_space<vmem>> -> memref<80x128xf32, #tpu.memory_space<vmem>>
      %dma_start3A_266 = arith.constant 0 : i32
      %dma_start3A_267 = tpu.memref_slice %arg7[%min3A_260, %dma_start3A_266] : memref<125x80xi32, #tpu.memory_space<vmem>> -> memref<1x80xi32, #tpu.memory_space<vmem>>
      %dma_start3A_268 = tpu.memref_squeeze %dma_start3A_267 : memref<1x80xi32, #tpu.memory_space<vmem>> -> memref<80xi32, #tpu.memory_space<vmem>>
      %dma_start3A_269 = arith.constant 0 : i32
      %dma_start3A_270 = arith.constant 0 : i32
      %dma_start3A_271 = tpu.memref_slice %arg2[%dma_start3A_269, %dma_start3A_270] : memref<10240x128xf32, #tpu.memory_space<hbm>> -> memref<10240x128xf32, #tpu.memory_space<hbm>>
      tpu.enqueue_indirect_dma source(%dma_start3A_271 : memref<10240x128xf32, #tpu.memory_space<hbm>>) target(%dma_start3A_265 : memref<80x128xf32, #tpu.memory_space<vmem>>) offsets(%dma_start3A_268 : memref<80xi32, #tpu.memory_space<vmem>>) semaphore(%arg15 : memref<!tpu.dma_semaphore, #tpu.memory_space<semaphore_mem>>)
      %min3A_272 = arith.constant 124 : i32
      %min3A_273 = arith.minsi %add3A_256, %min3A_272 : i32
      %dma_wait3A_274 = arith.constant 0 : i32
      %dma_wait3A_275 = arith.constant 0 : i32
      %dma_wait3A_276 = arith.constant 0 : i32
      %dma_wait3A_277 = tpu.memref_slice %arg11[%dma_wait3A_274, %dma_wait3A_275, %dma_wait3A_276] : memref<3x80x128xf32, #tpu.memory_space<vmem>> -> memref<1x80x128xf32, #tpu.memory_space<vmem>>
      %dma_wait3A_278 = tpu.memref_squeeze %dma_wait3A_277 : memref<1x80x128xf32, #tpu.memory_space<vmem>> -> memref<80x128xf32, #tpu.memory_space<vmem>>
      %dma_wait3A_279 = arith.constant 0 : i32
      %dma_wait3A_280 = tpu.memref_slice %arg7[%min3A_273, %dma_wait3A_279] : memref<125x80xi32, #tpu.memory_space<vmem>> -> memref<1x80xi32, #tpu.memory_space<vmem>>
      %dma_wait3A_281 = tpu.memref_squeeze %dma_wait3A_280 : memref<1x80xi32, #tpu.memory_space<vmem>> -> memref<80xi32, #tpu.memory_space<vmem>>
      %dma_wait3A_282 = arith.constant 0 : i32
      %dma_wait3A_283 = arith.constant 0 : i32
      %dma_wait3A_284 = tpu.memref_slice %arg2[%dma_wait3A_282, %dma_wait3A_283] : memref<10240x128xf32, #tpu.memory_space<hbm>> -> memref<10240x128xf32, #tpu.memory_space<hbm>>
      tpu.wait_indirect_dma semaphore(%arg13 : memref<!tpu.dma_semaphore, #tpu.memory_space<semaphore_mem>>) src(%dma_wait3A_284 : memref<10240x128xf32, #tpu.memory_space<hbm>>) dst(%dma_wait3A_278 : memref<80x128xf32, #tpu.memory_space<vmem>>)
      %min3A_285 = arith.constant 124 : i32
      %min3A_286 = arith.minsi %add3A_256, %min3A_285 : i32
      %mul3A_287 = arith.constant 80 : i32
      %mul3A_288 = arith.muli %min3A_286, %mul3A_287 : i32
      %add3A_289 = arith.addi %mul3A_4, %mul3A_288 : i32
      %dma_wait3A_290 = tpu.memref_slice %arg4[%add3A_289] : memref<320000xi32, #tpu.memory_space<hbm>> -> memref<80xi32, #tpu.memory_space<hbm>>
      %dma_wait3A_291 = tpu.memref_slice %arg4[%add3A_289] : memref<320000xi32, #tpu.memory_space<hbm>> -> memref<80xi32, #tpu.memory_space<hbm>>
      tpu.wait_dma2 semaphore(%arg16 : memref<!tpu.dma_semaphore, #tpu.memory_space<semaphore_mem>>) src(%dma_wait3A_291 : memref<80xi32, #tpu.memory_space<hbm>>) dst(%arg8 : memref<80xi32, #tpu.memory_space<vmem>>)
      %run_scoped3A_292 = arith.constant 0 : i32
      "tpu.region"() ({
        %run_scoped3A_349 = tpu.sem_alloc : memref<!tpu.dma_semaphore, #tpu.memory_space<semaphore_mem>>
        %dma_start3A_350 = arith.constant 0 : i32
        %dma_start3A_351 = arith.constant 0 : i32
        %dma_start3A_352 = tpu.memref_slice %arg11[%run_scoped3A_292, %dma_start3A_350, %dma_start3A_351] : memref<3x80x128xf32, #tpu.memory_space<vmem>> -> memref<1x80x128xf32, #tpu.memory_space<vmem>>
        %dma_start3A_353 = tpu.memref_squeeze %dma_start3A_352 : memref<1x80x128xf32, #tpu.memory_space<vmem>> -> memref<80x128xf32, #tpu.memory_space<vmem>>
        %dma_start3A_354 = arith.constant 0 : i32
        %dma_start3A_355 = arith.constant 0 : i32
        %dma_start3A_356 = tpu.memref_slice %arg12[%dma_start3A_354, %dma_start3A_355] : memref<10240x128xf32, #tpu.memory_space<vmem_shared>> -> memref<10240x128xf32, #tpu.memory_space<vmem_shared>>
        tpu.enqueue_indirect_dma source(%dma_start3A_353 : memref<80x128xf32, #tpu.memory_space<vmem>>) target(%dma_start3A_356 : memref<10240x128xf32, #tpu.memory_space<vmem_shared>>) offsets(%arg8 : memref<80xi32, #tpu.memory_space<vmem>>) semaphore(%run_scoped3A_349 : memref<!tpu.dma_semaphore, #tpu.memory_space<semaphore_mem>>) {add = true}
        %dma_wait3A_357 = arith.constant 0 : i32
        %dma_wait3A_358 = arith.constant 0 : i32
        %dma_wait3A_359 = tpu.memref_slice %arg11[%run_scoped3A_292, %dma_wait3A_357, %dma_wait3A_358] : memref<3x80x128xf32, #tpu.memory_space<vmem>> -> memref<1x80x128xf32, #tpu.memory_space<vmem>>
        %dma_wait3A_360 = tpu.memref_squeeze %dma_wait3A_359 : memref<1x80x128xf32, #tpu.memory_space<vmem>> -> memref<80x128xf32, #tpu.memory_space<vmem>>
        %dma_wait3A_361 = arith.constant 0 : i32
        %dma_wait3A_362 = arith.constant 0 : i32
        %dma_wait3A_363 = tpu.memref_slice %arg12[%dma_wait3A_361, %dma_wait3A_362] : memref<10240x128xf32, #tpu.memory_space<vmem_shared>> -> memref<10240x128xf32, #tpu.memory_space<vmem_shared>>
        tpu.wait_indirect_dma semaphore(%run_scoped3A_349 : memref<!tpu.dma_semaphore, #tpu.memory_space<semaphore_mem>>) src(%dma_wait3A_360 : memref<80x128xf32, #tpu.memory_space<vmem>>) dst(%dma_wait3A_363 : memref<10240x128xf32, #tpu.memory_space<vmem_shared>>)
        tpu.yield
      }) : () -> ()
      %add3A_293 = arith.constant 3 : i32
      %add3A_294 = arith.addi %add3A_256, %add3A_293 : i32
      %min3A_295 = arith.constant 124 : i32
      %min3A_296 = arith.minsi %add3A_294, %min3A_295 : i32
      %mul3A_297 = arith.constant 80 : i32
      %mul3A_298 = arith.muli %min3A_296, %mul3A_297 : i32
      %add3A_299 = arith.addi %mul3A_4, %mul3A_298 : i32
      %dma_start3A_300 = tpu.memref_slice %arg4[%add3A_299] : memref<320000xi32, #tpu.memory_space<hbm>> -> memref<80xi32, #tpu.memory_space<hbm>>
      %dma_start3A_301 = tpu.memref_slice %arg4[%add3A_299] : memref<320000xi32, #tpu.memory_space<hbm>> -> memref<80xi32, #tpu.memory_space<hbm>>
      tpu.enqueue_dma source(%dma_start3A_301 : memref<80xi32, #tpu.memory_space<hbm>>) target(%arg8 : memref<80xi32, #tpu.memory_space<vmem>>) target_semaphore(%arg16 : memref<!tpu.dma_semaphore, #tpu.memory_space<semaphore_mem>>)
      %add3A_302 = arith.constant 2 : i32
      %add3A_303 = arith.addi %add3A_209, %add3A_302 : i32
      %add3A_304 = arith.constant 2 : i32
      %add3A_305 = arith.addi %add3A_303, %add3A_304 : i32
      %min3A_306 = arith.constant 124 : i32
      %min3A_307 = arith.minsi %add3A_305, %min3A_306 : i32
      %dma_start3A_308 = arith.constant 0 : i32
      %dma_start3A_309 = arith.constant 0 : i32
      %dma_start3A_310 = arith.constant 0 : i32
      %dma_start3A_311 = tpu.memref_slice %arg11[%dma_start3A_308, %dma_start3A_309, %dma_start3A_310] : memref<3x80x128xf32, #tpu.memory_space<vmem>> -> memref<1x80x128xf32, #tpu.memory_space<vmem>>
      %dma_start3A_312 = tpu.memref_squeeze %dma_start3A_311 : memref<1x80x128xf32, #tpu.memory_space<vmem>> -> memref<80x128xf32, #tpu.memory_space<vmem>>
      %dma_start3A_313 = arith.constant 0 : i32
      %dma_start3A_314 = tpu.memref_slice %arg7[%min3A_307, %dma_start3A_313] : memref<125x80xi32, #tpu.memory_space<vmem>> -> memref<1x80xi32, #tpu.memory_space<vmem>>
      %dma_start3A_315 = tpu.memref_squeeze %dma_start3A_314 : memref<1x80xi32, #tpu.memory_space<vmem>> -> memref<80xi32, #tpu.memory_space<vmem>>
      %dma_start3A_316 = arith.constant 0 : i32
      %dma_start3A_317 = arith.constant 0 : i32
      %dma_start3A_318 = tpu.memref_slice %arg2[%dma_start3A_316, %dma_start3A_317] : memref<10240x128xf32, #tpu.memory_space<hbm>> -> memref<10240x128xf32, #tpu.memory_space<hbm>>
      tpu.enqueue_indirect_dma source(%dma_start3A_318 : memref<10240x128xf32, #tpu.memory_space<hbm>>) target(%dma_start3A_312 : memref<80x128xf32, #tpu.memory_space<vmem>>) offsets(%dma_start3A_315 : memref<80xi32, #tpu.memory_space<vmem>>) semaphore(%arg13 : memref<!tpu.dma_semaphore, #tpu.memory_space<semaphore_mem>>)
      %min3A_319 = arith.constant 124 : i32
      %min3A_320 = arith.minsi %add3A_303, %min3A_319 : i32
      %dma_wait3A_321 = arith.constant 1 : i32
      %dma_wait3A_322 = arith.constant 0 : i32
      %dma_wait3A_323 = arith.constant 0 : i32
      %dma_wait3A_324 = tpu.memref_slice %arg11[%dma_wait3A_321, %dma_wait3A_322, %dma_wait3A_323] : memref<3x80x128xf32, #tpu.memory_space<vmem>> -> memref<1x80x128xf32, #tpu.memory_space<vmem>>
      %dma_wait3A_325 = tpu.memref_squeeze %dma_wait3A_324 : memref<1x80x128xf32, #tpu.memory_space<vmem>> -> memref<80x128xf32, #tpu.memory_space<vmem>>
      %dma_wait3A_326 = arith.constant 0 : i32
      %dma_wait3A_327 = tpu.memref_slice %arg7[%min3A_320, %dma_wait3A_326] : memref<125x80xi32, #tpu.memory_space<vmem>> -> memref<1x80xi32, #tpu.memory_space<vmem>>
      %dma_wait3A_328 = tpu.memref_squeeze %dma_wait3A_327 : memref<1x80xi32, #tpu.memory_space<vmem>> -> memref<80xi32, #tpu.memory_space<vmem>>
      %dma_wait3A_329 = arith.constant 0 : i32
      %dma_wait3A_330 = arith.constant 0 : i32
      %dma_wait3A_331 = tpu.memref_slice %arg2[%dma_wait3A_329, %dma_wait3A_330] : memref<10240x128xf32, #tpu.memory_space<hbm>> -> memref<10240x128xf32, #tpu.memory_space<hbm>>
      tpu.wait_indirect_dma semaphore(%arg14 : memref<!tpu.dma_semaphore, #tpu.memory_space<semaphore_mem>>) src(%dma_wait3A_331 : memref<10240x128xf32, #tpu.memory_space<hbm>>) dst(%dma_wait3A_325 : memref<80x128xf32, #tpu.memory_space<vmem>>)
      %min3A_332 = arith.constant 124 : i32
      %min3A_333 = arith.minsi %add3A_303, %min3A_332 : i32
      %mul3A_334 = arith.constant 80 : i32
      %mul3A_335 = arith.muli %min3A_333, %mul3A_334 : i32
      %add3A_336 = arith.addi %mul3A_4, %mul3A_335 : i32
      %dma_wait3A_337 = tpu.memref_slice %arg4[%add3A_336] : memref<320000xi32, #tpu.memory_space<hbm>> -> memref<80xi32, #tpu.memory_space<hbm>>
      %dma_wait3A_338 = tpu.memref_slice %arg4[%add3A_336] : memref<320000xi32, #tpu.memory_space<hbm>> -> memref<80xi32, #tpu.memory_space<hbm>>
      tpu.wait_dma2 semaphore(%arg17 : memref<!tpu.dma_semaphore, #tpu.memory_space<semaphore_mem>>) src(%dma_wait3A_338 : memref<80xi32, #tpu.memory_space<hbm>>) dst(%arg9 : memref<80xi32, #tpu.memory_space<vmem>>)
      %run_scoped3A_339 = arith.constant 1 : i32
      "tpu.region"() ({
        %run_scoped3A_349 = tpu.sem_alloc : memref<!tpu.dma_semaphore, #tpu.memory_space<semaphore_mem>>
        %dma_start3A_350 = arith.constant 0 : i32
        %dma_start3A_351 = arith.constant 0 : i32
        %dma_start3A_352 = tpu.memref_slice %arg11[%run_scoped3A_339, %dma_start3A_350, %dma_start3A_351] : memref<3x80x128xf32, #tpu.memory_space<vmem>> -> memref<1x80x128xf32, #tpu.memory_space<vmem>>
        %dma_start3A_353 = tpu.memref_squeeze %dma_start3A_352 : memref<1x80x128xf32, #tpu.memory_space<vmem>> -> memref<80x128xf32, #tpu.memory_space<vmem>>
        %dma_start3A_354 = arith.constant 0 : i32
        %dma_start3A_355 = arith.constant 0 : i32
        %dma_start3A_356 = tpu.memref_slice %arg12[%dma_start3A_354, %dma_start3A_355] : memref<10240x128xf32, #tpu.memory_space<vmem_shared>> -> memref<10240x128xf32, #tpu.memory_space<vmem_shared>>
        tpu.enqueue_indirect_dma source(%dma_start3A_353 : memref<80x128xf32, #tpu.memory_space<vmem>>) target(%dma_start3A_356 : memref<10240x128xf32, #tpu.memory_space<vmem_shared>>) offsets(%arg9 : memref<80xi32, #tpu.memory_space<vmem>>) semaphore(%run_scoped3A_349 : memref<!tpu.dma_semaphore, #tpu.memory_space<semaphore_mem>>) {add = true}
        %dma_wait3A_357 = arith.constant 0 : i32
        %dma_wait3A_358 = arith.constant 0 : i32
        %dma_wait3A_359 = tpu.memref_slice %arg11[%run_scoped3A_339, %dma_wait3A_357, %dma_wait3A_358] : memref<3x80x128xf32, #tpu.memory_space<vmem>> -> memref<1x80x128xf32, #tpu.memory_space<vmem>>
        %dma_wait3A_360 = tpu.memref_squeeze %dma_wait3A_359 : memref<1x80x128xf32, #tpu.memory_space<vmem>> -> memref<80x128xf32, #tpu.memory_space<vmem>>
        %dma_wait3A_361 = arith.constant 0 : i32
        %dma_wait3A_362 = arith.constant 0 : i32
        %dma_wait3A_363 = tpu.memref_slice %arg12[%dma_wait3A_361, %dma_wait3A_362] : memref<10240x128xf32, #tpu.memory_space<vmem_shared>> -> memref<10240x128xf32, #tpu.memory_space<vmem_shared>>
        tpu.wait_indirect_dma semaphore(%run_scoped3A_349 : memref<!tpu.dma_semaphore, #tpu.memory_space<semaphore_mem>>) src(%dma_wait3A_360 : memref<80x128xf32, #tpu.memory_space<vmem>>) dst(%dma_wait3A_363 : memref<10240x128xf32, #tpu.memory_space<vmem_shared>>)
        tpu.yield
      }) : () -> ()
      %add3A_340 = arith.constant 3 : i32
      %add3A_341 = arith.addi %add3A_303, %add3A_340 : i32
      %min3A_342 = arith.constant 124 : i32
      %min3A_343 = arith.minsi %add3A_341, %min3A_342 : i32
      %mul3A_344 = arith.constant 80 : i32
      %mul3A_345 = arith.muli %min3A_343, %mul3A_344 : i32
      %add3A_346 = arith.addi %mul3A_4, %mul3A_345 : i32
      %dma_start3A_347 = tpu.memref_slice %arg4[%add3A_346] : memref<320000xi32, #tpu.memory_space<hbm>> -> memref<80xi32, #tpu.memory_space<hbm>>
      %dma_start3A_348 = tpu.memref_slice %arg4[%add3A_346] : memref<320000xi32, #tpu.memory_space<hbm>> -> memref<80xi32, #tpu.memory_space<hbm>>
      tpu.enqueue_dma source(%dma_start3A_348 : memref<80xi32, #tpu.memory_space<hbm>>) target(%arg9 : memref<80xi32, #tpu.memory_space<vmem>>) target_semaphore(%arg17 : memref<!tpu.dma_semaphore, #tpu.memory_space<semaphore_mem>>)
    }
    %scan3A_147 = arith.constant 41 : i32
    %min3A_148 = arith.constant 125 : i32
    %min3A_149 = arith.constant 124 : i32
    %min3A_150 = arith.minsi %min3A_148, %min3A_149 : i32
    %dma_wait3A_151 = arith.constant 2 : i32
    %dma_wait3A_152 = arith.constant 0 : i32
    %dma_wait3A_153 = arith.constant 0 : i32
    %dma_wait3A_154 = tpu.memref_slice %arg11[%dma_wait3A_151, %dma_wait3A_152, %dma_wait3A_153] : memref<3x80x128xf32, #tpu.memory_space<vmem>> -> memref<1x80x128xf32, #tpu.memory_space<vmem>>
    %dma_wait3A_155 = tpu.memref_squeeze %dma_wait3A_154 : memref<1x80x128xf32, #tpu.memory_space<vmem>> -> memref<80x128xf32, #tpu.memory_space<vmem>>
    %dma_wait3A_156 = arith.constant 0 : i32
    %dma_wait3A_157 = tpu.memref_slice %arg7[%min3A_150, %dma_wait3A_156] : memref<125x80xi32, #tpu.memory_space<vmem>> -> memref<1x80xi32, #tpu.memory_space<vmem>>
    %dma_wait3A_158 = tpu.memref_squeeze %dma_wait3A_157 : memref<1x80xi32, #tpu.memory_space<vmem>> -> memref<80xi32, #tpu.memory_space<vmem>>
    %dma_wait3A_159 = arith.constant 0 : i32
    %dma_wait3A_160 = arith.constant 0 : i32
    %dma_wait3A_161 = tpu.memref_slice %arg2[%dma_wait3A_159, %dma_wait3A_160] : memref<10240x128xf32, #tpu.memory_space<hbm>> -> memref<10240x128xf32, #tpu.memory_space<hbm>>
    tpu.wait_indirect_dma semaphore(%arg15 : memref<!tpu.dma_semaphore, #tpu.memory_space<semaphore_mem>>) src(%dma_wait3A_161 : memref<10240x128xf32, #tpu.memory_space<hbm>>) dst(%dma_wait3A_155 : memref<80x128xf32, #tpu.memory_space<vmem>>)
    %min3A_162 = arith.constant 126 : i32
    %min3A_163 = arith.constant 124 : i32
    %min3A_164 = arith.minsi %min3A_162, %min3A_163 : i32
    %dma_wait3A_165 = arith.constant 0 : i32
    %dma_wait3A_166 = arith.constant 0 : i32
    %dma_wait3A_167 = arith.constant 0 : i32
    %dma_wait3A_168 = tpu.memref_slice %arg11[%dma_wait3A_165, %dma_wait3A_166, %dma_wait3A_167] : memref<3x80x128xf32, #tpu.memory_space<vmem>> -> memref<1x80x128xf32, #tpu.memory_space<vmem>>
    %dma_wait3A_169 = tpu.memref_squeeze %dma_wait3A_168 : memref<1x80x128xf32, #tpu.memory_space<vmem>> -> memref<80x128xf32, #tpu.memory_space<vmem>>
    %dma_wait3A_170 = arith.constant 0 : i32
    %dma_wait3A_171 = tpu.memref_slice %arg7[%min3A_164, %dma_wait3A_170] : memref<125x80xi32, #tpu.memory_space<vmem>> -> memref<1x80xi32, #tpu.memory_space<vmem>>
    %dma_wait3A_172 = tpu.memref_squeeze %dma_wait3A_171 : memref<1x80xi32, #tpu.memory_space<vmem>> -> memref<80xi32, #tpu.memory_space<vmem>>
    %dma_wait3A_173 = arith.constant 0 : i32
    %dma_wait3A_174 = arith.constant 0 : i32
    %dma_wait3A_175 = tpu.memref_slice %arg2[%dma_wait3A_173, %dma_wait3A_174] : memref<10240x128xf32, #tpu.memory_space<hbm>> -> memref<10240x128xf32, #tpu.memory_space<hbm>>
    tpu.wait_indirect_dma semaphore(%arg13 : memref<!tpu.dma_semaphore, #tpu.memory_space<semaphore_mem>>) src(%dma_wait3A_175 : memref<10240x128xf32, #tpu.memory_space<hbm>>) dst(%dma_wait3A_169 : memref<80x128xf32, #tpu.memory_space<vmem>>)
    %min3A_176 = arith.constant 125 : i32
    %min3A_177 = arith.constant 124 : i32
    %min3A_178 = arith.minsi %min3A_176, %min3A_177 : i32
    %mul3A_179 = arith.constant 80 : i32
    %mul3A_180 = arith.muli %min3A_178, %mul3A_179 : i32
    %add3A_181 = arith.addi %mul3A_4, %mul3A_180 : i32
    %dma_wait3A_182 = tpu.memref_slice %arg4[%add3A_181] : memref<320000xi32, #tpu.memory_space<hbm>> -> memref<80xi32, #tpu.memory_space<hbm>>
    %dma_wait3A_183 = tpu.memref_slice %arg4[%add3A_181] : memref<320000xi32, #tpu.memory_space<hbm>> -> memref<80xi32, #tpu.memory_space<hbm>>
    tpu.wait_dma2 semaphore(%arg18 : memref<!tpu.dma_semaphore, #tpu.memory_space<semaphore_mem>>) src(%dma_wait3A_183 : memref<80xi32, #tpu.memory_space<hbm>>) dst(%arg10 : memref<80xi32, #tpu.memory_space<vmem>>)
    %min3A_184 = arith.constant 126 : i32
    %min3A_185 = arith.constant 124 : i32
    %min3A_186 = arith.minsi %min3A_184, %min3A_185 : i32
    %mul3A_187 = arith.constant 80 : i32
    %mul3A_188 = arith.muli %min3A_186, %mul3A_187 : i32
    %add3A_189 = arith.addi %mul3A_4, %mul3A_188 : i32
    %dma_wait3A_190 = tpu.memref_slice %arg4[%add3A_189] : memref<320000xi32, #tpu.memory_space<hbm>> -> memref<80xi32, #tpu.memory_space<hbm>>
    %dma_wait3A_191 = tpu.memref_slice %arg4[%add3A_189] : memref<320000xi32, #tpu.memory_space<hbm>> -> memref<80xi32, #tpu.memory_space<hbm>>
    tpu.wait_dma2 semaphore(%arg16 : memref<!tpu.dma_semaphore, #tpu.memory_space<semaphore_mem>>) src(%dma_wait3A_191 : memref<80xi32, #tpu.memory_space<hbm>>) dst(%arg8 : memref<80xi32, #tpu.memory_space<vmem>>)
    %min3A_192 = arith.constant 127 : i32
    %min3A_193 = arith.constant 124 : i32
    %min3A_194 = arith.minsi %min3A_192, %min3A_193 : i32
    %mul3A_195 = arith.constant 80 : i32
    %mul3A_196 = arith.muli %min3A_194, %mul3A_195 : i32
    %add3A_197 = arith.addi %mul3A_4, %mul3A_196 : i32
    %dma_wait3A_198 = tpu.memref_slice %arg4[%add3A_197] : memref<320000xi32, #tpu.memory_space<hbm>> -> memref<80xi32, #tpu.memory_space<hbm>>
    %dma_wait3A_199 = tpu.memref_slice %arg4[%add3A_197] : memref<320000xi32, #tpu.memory_space<hbm>> -> memref<80xi32, #tpu.memory_space<hbm>>
    tpu.wait_dma2 semaphore(%arg17 : memref<!tpu.dma_semaphore, #tpu.memory_space<semaphore_mem>>) src(%dma_wait3A_199 : memref<80xi32, #tpu.memory_space<hbm>>) dst(%arg9 : memref<80xi32, #tpu.memory_space<vmem>>)
    %barrier3A_200 = arith.constant 0 : index
    tpu.barrier barrier_id(%barrier3A_200)
    %mul3A_201 = arith.constant 640 : i32
    %mul3A_202 = arith.muli %arg1, %mul3A_201 : i32
    %mul3A_203 = arith.constant 640 : i32
    %mul3A_204 = arith.muli %arg1, %mul3A_203 : i32
    "tpu.region"() ({
      %run_scoped3A_205 = tpu.sem_alloc : memref<!tpu.dma_semaphore, #tpu.memory_space<semaphore_mem>>
      %dma_start3A_206 = arith.constant 0 : i32
      %dma_start3A_207 = tpu.memref_slice %arg6[%arg0, %mul3A_204, %dma_start3A_206] : memref<2x10240x128xf32, #tpu.memory_space<hbm>> -> memref<1x640x128xf32, #tpu.memory_space<hbm>>
      %dma_start3A_208 = tpu.memref_squeeze %dma_start3A_207 : memref<1x640x128xf32, #tpu.memory_space<hbm>> -> memref<640x128xf32, #tpu.memory_space<hbm>>
      %dma_start3A_209 = arith.constant 0 : i32
      %dma_start3A_210 = tpu.memref_slice %arg12[%mul3A_202, %dma_start3A_209] : memref<10240x128xf32, #tpu.memory_space<vmem_shared>> -> memref<640x128xf32, #tpu.memory_space<vmem_shared>>
      tpu.enqueue_dma source(%dma_start3A_210 : memref<640x128xf32, #tpu.memory_space<vmem_shared>>) target(%dma_start3A_208 : memref<640x128xf32, #tpu.memory_space<hbm>>) target_semaphore(%run_scoped3A_205 : memref<!tpu.dma_semaphore, #tpu.memory_space<semaphore_mem>>)
      %dma_wait3A_211 = arith.constant 0 : i32
      %dma_wait3A_212 = tpu.memref_slice %arg6[%arg0, %mul3A_204, %dma_wait3A_211] : memref<2x10240x128xf32, #tpu.memory_space<hbm>> -> memref<1x640x128xf32, #tpu.memory_space<hbm>>
      %dma_wait3A_213 = tpu.memref_squeeze %dma_wait3A_212 : memref<1x640x128xf32, #tpu.memory_space<hbm>> -> memref<640x128xf32, #tpu.memory_space<hbm>>
      %dma_wait3A_214 = arith.constant 0 : i32
      %dma_wait3A_215 = tpu.memref_slice %arg12[%mul3A_202, %dma_wait3A_214] : memref<10240x128xf32, #tpu.memory_space<vmem_shared>> -> memref<640x128xf32, #tpu.memory_space<vmem_shared>>
      tpu.wait_dma2 semaphore(%run_scoped3A_205 : memref<!tpu.dma_semaphore, #tpu.memory_space<semaphore_mem>>) src(%dma_wait3A_215 : memref<640x128xf32, #tpu.memory_space<vmem_shared>>) dst(%dma_wait3A_213 : memref<640x128xf32, #tpu.memory_space<hbm>>)
      tpu.yield
    }) : () -> ()
    return
  }
}

#map = affine_map<(d0, d1) -> (0)>
#map1 = affine_map<(d0, d1) -> (0, 0)>
module attributes {stable_mosaic.version = 14 : i64} {
  func.func @k(%arg0: i32, %arg1: i32, %arg2: memref<320000xi32, #tpu.memory_space<hbm>>, %arg3: memref<320000xi32, #tpu.memory_space<hbm>>, %arg4: memref<20480xf32, #tpu.memory_space<hbm>>, %arg5: memref<32x20480xf32, #tpu.memory_space<hbm>>, %arg6: memref<10000xi32, #tpu.memory_space<vmem>>, %arg7: memref<10000xi32, #tpu.memory_space<vmem>>, %arg8: memref<20480xf32, #tpu.memory_space<vmem>>, %arg9: memref<!tpu.dma_semaphore, #tpu.memory_space<semaphore_mem>>, %arg10: memref<!tpu.dma_semaphore, #tpu.memory_space<semaphore_mem>>, %arg11: memref<!tpu.dma_semaphore, #tpu.memory_space<semaphore_mem>>) attributes {dimension_semantics = [#tpu.dimension_semantics<core_parallel>, #tpu.dimension_semantics<subcore_parallel>], iteration_bounds = array<i64: 2, 16>, scalar_prefetch = 0 : i64, scratch_operands = 6 : i64, tpu.core_type = #tpu.core_type<sc_vector_subcore>, window_params = [{transform_indices = #map}, {transform_indices = #map}, {transform_indices = #map}, {transform_indices = #map1}]} {
    %mul3A = arith.constant 2 : i32
    %mul3A_0 = arith.muli %arg1, %mul3A : i32
    %add3A = arith.addi %mul3A_0, %arg0 : i32
    %mul3A_1 = arith.constant 10000 : i32
    %mul3A_2 = arith.muli %add3A, %mul3A_1 : i32
    tpu.enqueue_dma source(%arg4 : memref<20480xf32, #tpu.memory_space<hbm>>) target(%arg8 : memref<20480xf32, #tpu.memory_space<vmem>>) target_semaphore(%arg9 : memref<!tpu.dma_semaphore, #tpu.memory_space<semaphore_mem>>)
    %dma_start3A = tpu.memref_slice %arg2[%mul3A_2] : memref<320000xi32, #tpu.memory_space<hbm>> -> memref<10000xi32, #tpu.memory_space<hbm>>
    %dma_start3A_3 = tpu.memref_slice %arg2[%mul3A_2] : memref<320000xi32, #tpu.memory_space<hbm>> -> memref<10000xi32, #tpu.memory_space<hbm>>
    tpu.enqueue_dma source(%dma_start3A_3 : memref<10000xi32, #tpu.memory_space<hbm>>) target(%arg6 : memref<10000xi32, #tpu.memory_space<vmem>>) target_semaphore(%arg10 : memref<!tpu.dma_semaphore, #tpu.memory_space<semaphore_mem>>)
    %dma_start3A_4 = tpu.memref_slice %arg3[%mul3A_2] : memref<320000xi32, #tpu.memory_space<hbm>> -> memref<10000xi32, #tpu.memory_space<hbm>>
    %dma_start3A_5 = tpu.memref_slice %arg3[%mul3A_2] : memref<320000xi32, #tpu.memory_space<hbm>> -> memref<10000xi32, #tpu.memory_space<hbm>>
    tpu.enqueue_dma source(%dma_start3A_5 : memref<10000xi32, #tpu.memory_space<hbm>>) target(%arg7 : memref<10000xi32, #tpu.memory_space<vmem>>) target_semaphore(%arg11 : memref<!tpu.dma_semaphore, #tpu.memory_space<semaphore_mem>>)
    tpu.wait_dma2 semaphore(%arg9 : memref<!tpu.dma_semaphore, #tpu.memory_space<semaphore_mem>>) src(%arg4 : memref<20480xf32, #tpu.memory_space<hbm>>) dst(%arg8 : memref<20480xf32, #tpu.memory_space<vmem>>)
    %dma_wait3A = tpu.memref_slice %arg2[%mul3A_2] : memref<320000xi32, #tpu.memory_space<hbm>> -> memref<10000xi32, #tpu.memory_space<hbm>>
    %dma_wait3A_6 = tpu.memref_slice %arg2[%mul3A_2] : memref<320000xi32, #tpu.memory_space<hbm>> -> memref<10000xi32, #tpu.memory_space<hbm>>
    tpu.wait_dma2 semaphore(%arg10 : memref<!tpu.dma_semaphore, #tpu.memory_space<semaphore_mem>>) src(%dma_wait3A_6 : memref<10000xi32, #tpu.memory_space<hbm>>) dst(%arg6 : memref<10000xi32, #tpu.memory_space<vmem>>)
    %dma_wait3A_7 = tpu.memref_slice %arg3[%mul3A_2] : memref<320000xi32, #tpu.memory_space<hbm>> -> memref<10000xi32, #tpu.memory_space<hbm>>
    %dma_wait3A_8 = tpu.memref_slice %arg3[%mul3A_2] : memref<320000xi32, #tpu.memory_space<hbm>> -> memref<10000xi32, #tpu.memory_space<hbm>>
    tpu.wait_dma2 semaphore(%arg11 : memref<!tpu.dma_semaphore, #tpu.memory_space<semaphore_mem>>) src(%dma_wait3A_8 : memref<10000xi32, #tpu.memory_space<hbm>>) dst(%arg7 : memref<10000xi32, #tpu.memory_space<vmem>>)
    %broadcast_in_dim3A = arith.constant 1.000000e+00 : f32
    %broadcast_in_dim3A_9 = vector.broadcast %broadcast_in_dim3A : f32 to vector<16xf32>
    %broadcast_in_dim3A_10 = arith.constant 10240 : i32
    %broadcast_in_dim3A_11 = vector.broadcast %broadcast_in_dim3A_10 : i32 to vector<16xi32>
    %scan3A = arith.constant 0 : i32
    %scan3A_12 = arith.constant 0 : i32
    %scan3A_13 = arith.constant 625 : i32
    %scan3A_14 = arith.addi %scan3A_12, %scan3A_13 : i32
    %scan3A_15 = arith.constant 1 : i32
    scf.for %scan3A_17 = %scan3A_12 to %scan3A_14 step %scan3A_15  : i32 {
      %mul3A_18 = arith.constant 16 : i32
      %mul3A_19 = arith.muli %scan3A_17, %mul3A_18 : i32
      %get3A = arith.index_cast %mul3A_19 : i32 to index
      %get3A_20 = tpu.vector_load %arg6[%get3A] {strides = array<i32>} : memref<10000xi32, #tpu.memory_space<vmem>>, vector<16xi32>,
      tpu.vector_store_idx %arg8[%get3A_20], %broadcast_in_dim3A_9 {add = true} : memref<20480xf32, #tpu.memory_space<vmem>>[vector<16xi32>], vector<16xf32>,
      %get3A_21 = arith.index_cast %mul3A_19 : i32 to index
      %get3A_22 = tpu.vector_load %arg7[%get3A_21] {strides = array<i32>} : memref<10000xi32, #tpu.memory_space<vmem>>, vector<16xi32>,
      %add3A_23 = arith.addi %get3A_22, %broadcast_in_dim3A_11 : vector<16xi32>
      tpu.vector_store_idx %arg8[%add3A_23], %broadcast_in_dim3A_9 {add = true} : memref<20480xf32, #tpu.memory_space<vmem>>[vector<16xi32>], vector<16xf32>,
    }
    %scan3A_16 = arith.constant 625 : i32
    "tpu.region"() ({
      %run_scoped3A = tpu.sem_alloc : memref<!tpu.dma_semaphore, #tpu.memory_space<semaphore_mem>>
      %dma_start3A_17 = arith.constant 0 : i32
      %dma_start3A_18 = tpu.memref_slice %arg5[%add3A, %dma_start3A_17] : memref<32x20480xf32, #tpu.memory_space<hbm>> -> memref<1x20480xf32, #tpu.memory_space<hbm>>
      %dma_start3A_19 = tpu.memref_squeeze %dma_start3A_18 : memref<1x20480xf32, #tpu.memory_space<hbm>> -> memref<20480xf32, #tpu.memory_space<hbm>>
      %dma_start3A_20 = arith.constant 0 : i32
      %dma_start3A_21 = tpu.memref_slice %arg5[%add3A, %dma_start3A_20] : memref<32x20480xf32, #tpu.memory_space<hbm>> -> memref<1x20480xf32, #tpu.memory_space<hbm>>
      %dma_start3A_22 = tpu.memref_squeeze %dma_start3A_21 : memref<1x20480xf32, #tpu.memory_space<hbm>> -> memref<20480xf32, #tpu.memory_space<hbm>>
      tpu.enqueue_dma source(%arg8 : memref<20480xf32, #tpu.memory_space<vmem>>) target(%dma_start3A_22 : memref<20480xf32, #tpu.memory_space<hbm>>) target_semaphore(%run_scoped3A : memref<!tpu.dma_semaphore, #tpu.memory_space<semaphore_mem>>)
      %dma_wait3A_23 = arith.constant 0 : i32
      %dma_wait3A_24 = tpu.memref_slice %arg5[%add3A, %dma_wait3A_23] : memref<32x20480xf32, #tpu.memory_space<hbm>> -> memref<1x20480xf32, #tpu.memory_space<hbm>>
      %dma_wait3A_25 = tpu.memref_squeeze %dma_wait3A_24 : memref<1x20480xf32, #tpu.memory_space<hbm>> -> memref<20480xf32, #tpu.memory_space<hbm>>
      %dma_wait3A_26 = arith.constant 0 : i32
      %dma_wait3A_27 = tpu.memref_slice %arg5[%add3A, %dma_wait3A_26] : memref<32x20480xf32, #tpu.memory_space<hbm>> -> memref<1x20480xf32, #tpu.memory_space<hbm>>
      %dma_wait3A_28 = tpu.memref_squeeze %dma_wait3A_27 : memref<1x20480xf32, #tpu.memory_space<hbm>> -> memref<20480xf32, #tpu.memory_space<hbm>>
      tpu.wait_dma2 semaphore(%run_scoped3A : memref<!tpu.dma_semaphore, #tpu.memory_space<semaphore_mem>>) src(%arg8 : memref<20480xf32, #tpu.memory_space<vmem>>) dst(%dma_wait3A_28 : memref<20480xf32, #tpu.memory_space<hbm>>)
      tpu.yield
    }) : () -> ()
    return
  }
}

module attributes {stable_mosaic.version = 14 : i64} {
  func.func @body(%arg0: memref<32x160x128xf32, #tpu.memory_space<vmem>>, %arg1: memref<160x128xf32, #tpu.memory_space<vmem>>) attributes {dimension_semantics = [], scalar_prefetch = 0 : i64, scratch_operands = 0 : i64, tpu.core_type = #tpu.core_type<tc>} {
    %get3A = arith.constant 0 : index
    %get3A_0 = arith.constant 0 : index
    %get3A_1 = arith.constant 0 : index
    %get3A_2 = vector.load %arg0[%get3A, %get3A_0, %get3A_1] : memref<32x160x128xf32, #tpu.memory_space<vmem>>, vector<32x160x128xf32>
    %reduce_sum3A = arith.constant dense<0.000000e+00> : vector<160x128xf32>
    %reduce_sum3A_3 = vector.multi_reduction <add>, %get3A_2, %reduce_sum3A [0] : vector<32x160x128xf32> to vector<160x128xf32>
    %max3A = arith.constant 1.000000e+00 : f32
    %max3A_4 = vector.broadcast %max3A : f32 to vector<160x128xf32>
    %max3A_5 = arith.maximumf %reduce_sum3A_3, %max3A_4 : vector<160x128xf32>
    %rsqrt3A = math.rsqrt %max3A_5 : vector<160x128xf32>
    %swap3A = arith.constant 0 : index
    %swap3A_6 = arith.constant 0 : index
    %swap3A_7 = vector.load %arg1[%swap3A, %swap3A_6] : memref<160x128xf32, #tpu.memory_space<vmem>>, vector<160x128xf32>
    tpu.vector_store %arg1[%swap3A, %swap3A_6], %rsqrt3A {strides = array<i32>} : memref<160x128xf32, #tpu.memory_space<vmem>>, vector<160x128xf32>,
    return
  }
}

module attributes {stable_mosaic.version = 14 : i64} {
  func.func @body(%arg0: memref<10000x128xf32, #tpu.memory_space<vmem>>, %arg1: memref<10240x1xf32, #tpu.memory_space<vmem>>, %arg2: memref<10240x128xf32, #tpu.memory_space<vmem>>) attributes {dimension_semantics = [], scalar_prefetch = 0 : i64, scratch_operands = 0 : i64, tpu.core_type = #tpu.core_type<tc>} {
    %get3A = arith.constant 0 : index
    %get3A_0 = arith.constant 0 : index
    %get3A_1 = vector.load %arg0[%get3A, %get3A_0] : memref<10000x128xf32, #tpu.memory_space<vmem>>, vector<10000x128xf32>
    %get3A_2 = arith.constant 0 : index
    %get3A_3 = arith.constant 0 : index
    %get3A_4 = vector.load %arg1[%get3A_2, %get3A_3] : memref<10240x1xf32, #tpu.memory_space<vmem>>, vector<10000x1xf32>
    %mul3A = vector.broadcast %get3A_4 : vector<10000x1xf32> to vector<10000x128xf32>
    %mul3A_5 = arith.mulf %get3A_1, %mul3A : vector<10000x128xf32>
    %swap3A = arith.constant 0 : index
    %swap3A_6 = arith.constant 0 : index
    %swap3A_7 = vector.load %arg2[%swap3A, %swap3A_6] : memref<10240x128xf32, #tpu.memory_space<vmem>>, vector<10000x128xf32>
    tpu.vector_store %arg2[%swap3A, %swap3A_6], %mul3A_5 {strides = array<i32>} : memref<10240x128xf32, #tpu.memory_space<vmem>>, vector<10000x128xf32>,
    return
  }
}

module attributes {stable_mosaic.version = 14 : i64} {
  func.func @body(%arg0: i32, %arg1: memref<2x1024x128xf32, #tpu.memory_space<vmem>>, %arg2: memref<1024x1xf32, #tpu.memory_space<vmem>>, %arg3: memref<1024x1xf32, #tpu.memory_space<vmem>>, %arg4: memref<128x256xf32, #tpu.memory_space<vmem>>, %arg5: memref<1x256xf32, #tpu.memory_space<vmem>>, %arg6: memref<256x2xf32, #tpu.memory_space<vmem>>, %arg7: memref<1024x2xf32, #tpu.memory_space<vmem>>) attributes {dimension_semantics = [#tpu.dimension_semantics<arbitrary>], iteration_bounds = array<i64: 10>, scalar_prefetch = 0 : i64, scratch_operands = 0 : i64, tpu.core_type = #tpu.core_type<tc>, window_params = [{transform_indices = @transform_0, window_bounds = array<i64: 2, 1024, 128>}, {transform_indices = @transform_1, window_bounds = array<i64: 1024, 1>}, {transform_indices = @transform_2, window_bounds = array<i64: 1024, 1>}, {pipeline_mode = #tpu.pipeline_mode<synchronous>, transform_indices = @transform_3, window_bounds = array<i64: 128, 256>}, {pipeline_mode = #tpu.pipeline_mode<synchronous>, transform_indices = @transform_4, window_bounds = array<i64: 1, 256>}, {pipeline_mode = #tpu.pipeline_mode<synchronous>, transform_indices = @transform_5, window_bounds = array<i64: 256, 2>}, {transform_indices = @transform_6, window_bounds = array<i64: 1024, 2>}]} {
    %get3A = arith.constant 0 : index
    %get3A_0 = arith.constant 0 : index
    %get3A_1 = arith.constant 0 : index
    %get3A_2 = vector.load %arg1[%get3A, %get3A_0, %get3A_1] : memref<2x1024x128xf32, #tpu.memory_space<vmem>>, vector<1x1024x128xf32>
    %get3A_3 = vector.shape_cast %get3A_2 : vector<1x1024x128xf32> to vector<1024x128xf32>
    %get3A_4 = arith.constant 1 : index
    %get3A_5 = arith.constant 0 : index
    %get3A_6 = arith.constant 0 : index
    %get3A_7 = vector.load %arg1[%get3A_4, %get3A_5, %get3A_6] : memref<2x1024x128xf32, #tpu.memory_space<vmem>>, vector<1x1024x128xf32>
    %get3A_8 = vector.shape_cast %get3A_7 : vector<1x1024x128xf32> to vector<1024x128xf32>
    %add3A = arith.addf %get3A_3, %get3A_8 : vector<1024x128xf32>
    %get3A_9 = arith.constant 0 : index
    %get3A_10 = arith.constant 0 : index
    %get3A_11 = vector.load %arg2[%get3A_9, %get3A_10] : memref<1024x1xf32, #tpu.memory_space<vmem>>, vector<1024x1xf32>
    %mul3A = vector.broadcast %get3A_11 : vector<1024x1xf32> to vector<1024x128xf32>
    %mul3A_12 = arith.mulf %add3A, %mul3A : vector<1024x128xf32>
    %get3A_13 = arith.constant 0 : index
    %get3A_14 = arith.constant 0 : index
    %get3A_15 = vector.load %arg4[%get3A_13, %get3A_14] : memref<128x256xf32, #tpu.memory_space<vmem>>, vector<128x256xf32>
    %dot_general3A = arith.constant dense<0.000000e+00> : vector<1024x256xf32>
    %dot_general3A_16 = tpu.matmul %mul3A_12, %get3A_15, %dot_general3A {dimension_numbers = #tpu.dot_dimension_numbers<[1], [0], [0], [1], [0, 0, 1, 1], [], []>, transpose_lhs_hint = false} : vector<1024x128xf32>, vector<128x256xf32>, vector<1024x256xf32> -> vector<1024x256xf32>
    %get3A_17 = arith.constant 0 : index
    %get3A_18 = arith.constant 0 : index
    %get3A_19 = vector.load %arg5[%get3A_17, %get3A_18] : memref<1x256xf32, #tpu.memory_space<vmem>>, vector<1x256xf32>
    %add3A_20 = vector.broadcast %get3A_19 : vector<1x256xf32> to vector<1024x256xf32>
    %add3A_21 = arith.addf %dot_general3A_16, %add3A_20 : vector<1024x256xf32>
    %max3A = arith.constant 0.000000e+00 : f32
    %max3A_22 = vector.broadcast %max3A : f32 to vector<1024x256xf32>
    %max3A_23 = arith.maximumf %add3A_21, %max3A_22 : vector<1024x256xf32>
    %get3A_24 = arith.constant 0 : index
    %get3A_25 = arith.constant 0 : index
    %get3A_26 = vector.load %arg3[%get3A_24, %get3A_25] : memref<1024x1xf32, #tpu.memory_space<vmem>>, vector<1024x1xf32>
    %mul3A_27 = vector.broadcast %get3A_26 : vector<1024x1xf32> to vector<1024x256xf32>
    %mul3A_28 = arith.mulf %max3A_23, %mul3A_27 : vector<1024x256xf32>
    %get3A_29 = arith.constant 0 : index
    %get3A_30 = arith.constant 0 : index
    %get3A_31 = vector.load %arg6[%get3A_29, %get3A_30] : memref<256x2xf32, #tpu.memory_space<vmem>>, vector<256x2xf32>
    %dot_general3A_32 = arith.constant dense<0.000000e+00> : vector<1024x2xf32>
    %dot_general3A_33 = tpu.matmul %mul3A_28, %get3A_31, %dot_general3A_32 {dimension_numbers = #tpu.dot_dimension_numbers<[1], [0], [0], [1], [0, 0, 1, 1], [], []>, transpose_lhs_hint = false} : vector<1024x256xf32>, vector<256x2xf32>, vector<1024x2xf32> -> vector<1024x2xf32>
    %swap3A = arith.constant 0 : index
    %swap3A_34 = arith.constant 0 : index
    %swap3A_35 = vector.load %arg7[%swap3A, %swap3A_34] : memref<1024x2xf32, #tpu.memory_space<vmem>>, vector<1024x2xf32>
    tpu.vector_store %arg7[%swap3A, %swap3A_34], %dot_general3A_33 {strides = array<i32>} : memref<1024x2xf32, #tpu.memory_space<vmem>>, vector<1024x2xf32>,
    return
  }
  func.func @transform_0(%arg0: i32) -> (i32, i32, i32) {
    %c0_i32 = arith.constant 0 : i32
    %c0_i32_0 = arith.constant 0 : i32
    %c0_i32_1 = arith.constant 0 : i32
    return %c0_i32, %arg0, %c0_i32_0 : i32, i32, i32
  }
  func.func @transform_1(%arg0: i32) -> (i32, i32) {
    %c0_i32 = arith.constant 0 : i32
    %c0_i32_0 = arith.constant 0 : i32
    return %arg0, %c0_i32 : i32, i32
  }
  func.func @transform_2(%arg0: i32) -> (i32, i32) {
    %c0_i32 = arith.constant 0 : i32
    %c0_i32_0 = arith.constant 0 : i32
    return %arg0, %c0_i32 : i32, i32
  }
  func.func @transform_3(%arg0: i32) -> (i32, i32) {
    %c0_i32 = arith.constant 0 : i32
    %c0_i32_0 = arith.constant 0 : i32
    %c0_i32_1 = arith.constant 0 : i32
    return %c0_i32, %c0_i32_0 : i32, i32
  }
  func.func @transform_4(%arg0: i32) -> (i32, i32) {
    %c0_i32 = arith.constant 0 : i32
    %c0_i32_0 = arith.constant 0 : i32
    %c0_i32_1 = arith.constant 0 : i32
    return %c0_i32, %c0_i32_0 : i32, i32
  }
  func.func @transform_5(%arg0: i32) -> (i32, i32) {
    %c0_i32 = arith.constant 0 : i32
    %c0_i32_0 = arith.constant 0 : i32
    %c0_i32_1 = arith.constant 0 : i32
    return %c0_i32, %c0_i32_0 : i32, i32
  }
  func.func @transform_6(%arg0: i32) -> (i32, i32) {
    %c0_i32 = arith.constant 0 : i32
    %c0_i32_0 = arith.constant 0 : i32
    return %arg0, %c0_i32 : i32, i32
  }
}

module attributes {stable_mosaic.version = 14 : i64} {
  func.func @body(%arg0: memref<32x160x128xf32, #tpu.memory_space<vmem>>, %arg1: memref<160x128xf32, #tpu.memory_space<vmem>>, %arg2: memref<1x128xf32, #tpu.memory_space<vmem>>, %arg3: memref<160x128xf32, #tpu.memory_space<vmem>>) attributes {dimension_semantics = [], scalar_prefetch = 0 : i64, scratch_operands = 0 : i64, tpu.core_type = #tpu.core_type<tc>} {
    %get3A = arith.constant 0 : index
    %get3A_0 = arith.constant 0 : index
    %get3A_1 = arith.constant 0 : index
    %get3A_2 = vector.load %arg0[%get3A, %get3A_0, %get3A_1] : memref<32x160x128xf32, #tpu.memory_space<vmem>>, vector<32x160x128xf32>
    %reduce_sum3A = arith.constant dense<0.000000e+00> : vector<160x128xf32>
    %reduce_sum3A_3 = vector.multi_reduction <add>, %get3A_2, %reduce_sum3A [0] : vector<32x160x128xf32> to vector<160x128xf32>
    %get3A_4 = arith.constant 0 : index
    %get3A_5 = arith.constant 0 : index
    %get3A_6 = vector.load %arg1[%get3A_4, %get3A_5] : memref<160x128xf32, #tpu.memory_space<vmem>>, vector<160x128xf32>
    %mul3A = arith.mulf %reduce_sum3A_3, %get3A_6 : vector<160x128xf32>
    %get3A_7 = arith.constant 0 : index
    %get3A_8 = arith.constant 0 : index
    %get3A_9 = vector.load %arg2[%get3A_7, %get3A_8] : memref<1x128xf32, #tpu.memory_space<vmem>>, vector<1x128xf32>
    %add3A = vector.broadcast %get3A_9 : vector<1x128xf32> to vector<160x128xf32>
    %add3A_10 = arith.addf %mul3A, %add3A : vector<160x128xf32>
    %swap3A = arith.constant 0 : index
    %swap3A_11 = arith.constant 0 : index
    %swap3A_12 = vector.load %arg3[%swap3A, %swap3A_11] : memref<160x128xf32, #tpu.memory_space<vmem>>, vector<160x128xf32>
    tpu.vector_store %arg3[%swap3A, %swap3A_11], %add3A_10 {strides = array<i32>} : memref<160x128xf32, #tpu.memory_space<vmem>>, vector<160x128xf32>,
    return
  }
}

</mosaic_0001>

<sc_bundles>
// kernel: kernel.12.cloned.1.call-start
scs
__scs_entry_jumppad:
0x0: {  	(pc) =	sbr.rel $0x88, $3  }
0x1: {  	(tag) =	ssettag $0x0;
	lr =	simm.s32 $0x1  }
0x2: {  	[smem:$0x3F9B] =	sst lr;
	_ =	strace $0xD0000000  }
0x3: {  	_ = 	snop  }
0x4: {  	_ = 	snop  }
0x5: {  	_ = 	snop  }
0x6: {  	_ = 	snop  }
0x7: {  	_ = 	snop  }
__scs_overlays_trampoline_lowered:
0x8: {  	[smem:$0x3FAA] =	sst s0  }
0x9: {  	[smem:$0x3FAB] =	sst s1  }
0xa: {  	[smem:$0x3FAC] =	sst s2  }
0xb: {  	[smem:$0x3FAD] =	sst s3  }
0xc: {  	[smem:$0x3FAE] =	sst s4  }
0xd: {  	[smem:$0x3FAF] =	sst s5  }
0xe: {  	[smem:$0x3FB0] =	sst s6  }
0xf: {  	[smem:$0x3FB1] =	sst s7  }
0x10: {  	[smem:$0x3FB2] =	sst s8  }
0x11: {  	[smem:$0x3FB3] =	sst s9;
	s0 =	simm.s32 @!p0 $0x0  }
0x12: {  	s1 =	sld [smem:$0x3F99];
	s0 =	simm.s32 @p0 $0x1  }
0x13: {  	[smem:$0x3FB4] =	sst s0;
	s0 =	simm.s32 @!p1 $0x0  }
0x14: {  	s2 =	sld [smem:$0x3F98];
	s0 =	simm.s32 @p1 $0x1  }
0x15: {  	[smem:$0x3FB5] =	sst s0;
	s0 =	simm.s32 @!p2 $0x0  }
0x16: {  	s3 =	sld [smem:$0x3FDB];
	s0 =	simm.s32 @p2 $0x1  }
0x17: {  	s4 =	simm.s32 $0x1BF5;
	[smem:$0x3FB7] =	sst s0  }
0x18: {  	s0 =	sld [smem:$0x3F9A];
	_ =	swait.ge [sflag:s4], $0x0  }
0x19: {  	s7 =	sld [smem:$0x3F9B]  }
0x1a: {  	s8 =	sadd.s32 $0xFFFFE003, lr  }
0x1b: {  	s9 =	sadd.s32 $0xFFFFFEF7, lr;
	s5 =	simm.s32 $0xFFFFFFFF;
	p2 =	slt.u32 s8, $0xFFFFF086  }
0x1c: {  	p1 =	slt.u32 s9, $0xF7A;
	s5 =	simm.s32 @!p2 $0x0  }
0x1d: {  	s5 =	simm.s32 @p1 $0x1;
	p0 =	seq.s32 s7, s2  }
0x1e: {  	s7 =	smul.u32 @!p0 $0xF7A, s2;
	p2 =	seq.s32 @!p0 s5, $0x0  }
0x1f: {  	s9 =	smul.u32 $0xF7A, s1;
	s8 =	simm.s32 @!p0 $0x1BF5;
	p2 =	por !p2, p0  }
0x20: {  	[sflag:s8] =	ssyncset.s32 @!p0 $0xFFFFF086;
	s6 =	sadd.s32 @!p0 s3, s7;
	s7 =	simm.s32 @!p0 $0x108  }
0x21: {  	s3 =	sadd.s32 s3, s9;
	s6 =	sadd.s32 @!p0 $0x88, s6;
	s7 =	simm.s32 @p2 $0x1082  }
0x22: {  	[simem:s7], [sflag:s8] =	dma.local @!p0 [hbm:s6], $0xF7A  }
0x23: {  	s9 =	sor.u32 $0xD0000000, s2;
	s6 =	simm.s32 $0x108;
	_ =	swait.ge @!p0 [sflag:s8], $0x0  }
0x24: {  	s3 =	sadd.s32 $0x88, s3;
	s6 =	simm.s32 @!p1 $0x1082;
	[sflag:s4] =	ssyncset.s32 $0xFFFFF086  }
0x25: {  	[simem:s6], [sflag:s4] =	dma.local [hbm:s3], $0xF7A  }
0x26: {  	[smem:$0x3F9B] =	sst s1;
	(tag) =	ssettag s2;
	_ =	strace s9  }
0x27: {  	s1 =	sld [smem:$0x3FAB]  }
0x28: {  	s2 =	sld [smem:$0x3FAC]  }
0x29: {  	s4 =	sld [smem:$0x3FAE]  }
0x2a: {  	p0 =	seq.s32 s5, $0x0;
	s5 =	sld [smem:$0x3FAF]  }
0x2b: {  	s6 =	sld [smem:$0x3FB0]  }
0x2c: {  	s7 =	sld [smem:$0x3FB1]  }
0x2d: {  	s3 =	simm.s32 $0x108;
	s8 =	sld [smem:$0x3FB2]  }
0x2e: {  	s3 =	simm.s32 @!p0 $0x1082;
	s9 =	sld [smem:$0x3FB3]  }
0x2f: {  	lr =	sadd.s32 s0, s3;
	s0 =	sld [smem:$0x3FAA]  }
0x30: {  	s3 =	sld [smem:$0x3FAD]  }
0x31: {  	[smem:$0x3FB6] =	sst s10  }
0x32: {  	s10 =	sld [smem:$0x3FB4];
	_ =	sdelay $0x3  }
0x33: {  	p0 =	seq.s32 s10, $0x1;
	s10 =	sld [smem:$0x3FB6];
	_ =	sdelay $0x3  }
0x34: {  	[smem:$0x3FB6] =	sst s10  }
0x35: {  	s10 =	sld [smem:$0x3FB5];
	_ =	sdelay $0x3  }
0x36: {  	p1 =	seq.s32 s10, $0x1;
	s10 =	sld [smem:$0x3FB6];
	_ =	sdelay $0x3  }
0x37: {  	[smem:$0x3FB6] =	sst s10  }
0x38: {  	s10 =	sld [smem:$0x3FB7]  }
0x39: {  	_ = 	snop;
	(pc) =	sbr.ind lr, $3  }
0x3a: {  	_ = 	snop  }
0x3b: {  	_ = 	snop  }
0x3c: {  	p2 =	seq.s32 s10, $0x1;
	s10 =	sld [smem:$0x3FB6]  }
0x3d: {  	_ =	shalt  }
0x3e: {  	_ =	shalt  }
0x3f: {  	_ =	shalt  }
0x40: {  	_ =	shalt  }
0x41: {  	_ =	shalt  }
0x42: {  	_ =	shalt  }
0x43: {  	_ =	shalt  }
0x44: {  	_ =	shalt  }
0x45: {  	_ =	shalt  }
0x46: {  	_ =	shalt  }
0x47: {  	_ =	shalt  }
0x48: {  	_ =	shalt  }
0x49: {  	_ =	shalt  }
0x4a: {  	_ =	shalt  }
0x4b: {  	_ =	shalt  }
0x4c: {  	_ =	shalt  }
0x4d: {  	_ =	shalt  }
0x4e: {  	_ =	shalt  }
0x4f: {  	_ =	shalt  }
0x50: {  	_ =	shalt  }
0x51: {  	_ =	shalt  }
0x52: {  	_ =	shalt  }
0x53: {  	_ =	shalt  }
0x54: {  	_ =	shalt  }
0x55: {  	_ =	shalt  }
0x56: {  	_ =	shalt  }
0x57: {  	_ =	shalt  }
0x58: {  	_ =	shalt  }
0x59: {  	_ =	shalt  }
0x5a: {  	_ =	shalt  }
0x5b: {  	_ =	shalt  }
0x5c: {  	_ =	shalt  }
0x5d: {  	_ =	shalt  }
0x5e: {  	_ =	shalt  }
0x5f: {  	_ =	shalt  }
0x60: {  	_ =	shalt  }
0x61: {  	_ =	shalt  }
0x62: {  	_ =	shalt  }
0x63: {  	_ =	shalt  }
0x64: {  	_ =	shalt  }
0x65: {  	_ =	shalt  }
0x66: {  	_ =	shalt  }
0x67: {  	_ =	shalt  }
0x68: {  	_ =	shalt  }
0x69: {  	_ =	shalt  }
0x6a: {  	_ =	shalt  }
0x6b: {  	_ =	shalt  }
0x6c: {  	_ =	shalt  }
0x6d: {  	_ =	shalt  }
0x6e: {  	_ =	shalt  }
0x6f: {  	_ =	shalt  }
0x70: {  	_ =	shalt  }
0x71: {  	_ =	shalt  }
0x72: {  	_ =	shalt  }
0x73: {  	_ =	shalt  }
0x74: {  	_ =	shalt  }
0x75: {  	_ =	shalt  }
0x76: {  	_ =	shalt  }
0x77: {  	_ =	shalt  }
0x78: {  	_ =	shalt  }
0x79: {  	_ =	shalt  }
0x7a: {  	_ =	shalt  }
0x7b: {  	_ =	shalt  }
0x7c: {  	_ =	shalt  }
0x7d: {  	_ =	shalt  }
0x7e: {  	_ =	shalt  }
0x7f: {  	_ =	shalt  }
0x80: {  	_ =	shalt  }
0x81: {  	_ =	shalt  }
0x82: {  	_ =	shalt  }
0x83: {  	_ =	shalt  }
0x84: {  	_ =	shalt  }
0x85: {  	_ =	shalt  }
0x86: {  	_ =	shalt  }
0x87: {  	_ =	shalt  }
.Lfunc_end0:
.L_simem_size_0:
called_computation.1_lowered:
.L_overlay_start_0:
0x88: {  	s2 =	sld [smem:$0x3FD9]  }
0x89: {  	s3 =	sld [smem:$0x3FFE];
	_ =	sdelay $0x1  }
0x8a: {  	s1 =	srdreg.scid  }
0x8b: {  	s0 =	sand.u32 $0x1, s1  }
0x8c: {  	s16 =	sshll.u32 s0, $0xA;
	s2 =	sadd.s32 s3, s2  }
0x8d: {  	s2 =	sadd.s32 s2, s16  }
0x8e: {  	[smem:$0x3FC2] =	sst s2  }
0x8f: {  	_ = 	snop  }
0x90: {  	(tm) =	ssettm $0x1  }
0x91: {  	s17 =	sld [smem:$0x3FFB];
	_ =	sdelay $0x3  }
0x92: {  	_ =	strace s17  }
0x93: {  	s2 =	sld [smem:$0x3FFC];
	_ =	sdelay $0x3  }
0x94: {  	_ =	strace s2  }
0x95: {  	s2 =	sld [smem:$0x3FFD];
	_ =	sdelay $0x3  }
0x96: {  	_ =	strace s2  }
0x97: {  	_ =	strace $0x8FFFFFFF  }
0x98: {  	s18 =	sld [smem:$0x3FDB];
	_ =	sdelay $0x1  }
0x99: {  	s19 =	simm.s32 $_scs_section_size  }
0x9a: {  	s4 =	simm.s32 $_size__tile_overlayer_lowered;
	s5 =	simm.s32 $_tile_overlayer_lowered  }
0x9b: {  	s22 =	simm.s32 $0x1BFF;
	s21 =	sshll.u32 s5, $0x1;
	s2 =	sadd.s32 s19, s18  }
0x9c: {  	s6 =	simm.s32 $0x0;
	s20 =	sshll.u32 s4, $0x1;
	s4 =	sadd.s32 s21, s2  }
0x9d: {  	[timem:s6], [sflag:s22] =	dma.local [hbm:s4], s20  }
0x9e: {  	_ =	swait.ge [sflag:s22], s20  }
0x9f: {  	s3 =	ssub.s32 $0x0, s20;
	[sflag:s22] =	ssyncset.done $0x0  }
0xa0: {  	[sflag:s22] =	ssyncadd.s32 s3;
	_ =	sdelay $0x1  }
0xa1: {  	s23 =	simm.s32 $0x1B8B  }
0xa2: {  	_ =	swait.ge [sflag:s23], $0x1  }
0xa3: {  	[sflag:s23] =	ssyncset.done $0x0  }
0xa4: {  	s25 =	simm.s32 $0x1B8E;
	s24 =	sld [smem:$0x3FFE];
	[sflag:s23] =	ssyncadd.s32 $0xFFFFFFFF  }
0xa5: {  	s26 =	simm.s32 $execute0_lowered;
	[smem:$0x3FD2] =	sst s25  }
0xa6: {  	s4 =	sshll.u32 s26, $0x1;
	_ =	strace $0x80000049;
	[dreg:$0x1] =	wrdreg $0xFFFFFFFF  }
0xa7: {  	s28 =	simm.s32 $_size_execute0_lowered;
	s2 =	sadd.s32 s2, s4;
	[dreg:$0x0] =	wrdreg $0x0  }
0xa8: {  	s4 =	sshll.u32 s28, $0x1;
	[dreg:$0x2] =	wrdreg s2  }
0xa9: {  	[dreg:$0x3] =	wrdreg s4  }
0xaa: {  	[dreg:$0x4] =	wrdreg $0xC0  }
0xab: {  	_ =	task [dreg:s6], $0x5FFFF  }
0xac: {  	[dreg:$0x1] =	wrdreg $0xFFFFFFFF  }
0xad: {  	[dreg:$0x0] =	wrdreg $0x60  }
0xae: {  	[dreg:$0x2] =	wrdreg s24  }
0xaf: {  	[dreg:$0x3] =	wrdreg $0xB9800  }
0xb0: {  	[dreg:$0x4] =	wrdreg $0x9  }
0xb1: {  	_ =	task.clear_ibuf [dreg:s6], $0x5FFFF;
	_ =	strace $0x90000049  }
0xb2: {  	s29 =	simm.s32 $0x9;
	_ =	strace $0x8000004B  }
0xb3: {  	_ =	swait.ge [sflag:s29], $0x1  }
0xb4: {  	[sflag:s29] =	ssyncadd.s32 $0xFFFFFFFF  }
0xb5: {  	_ =	strace $0x9000004B  }
0xb6: {  	_ =	sfence  }
0xb7: {  	s30 =	sld [smem:$0x0];
	_ =	sdelay $0x2  }
0xb8: {  	s31 =	sshll.u32 s1, $0xD;
	s1 =	sshrl.u32 s1, $0x2  }
0xb9: {  	s3 =	sand.u32 $0x4000, s31;
	s1 =	sadd.s32 s1, s30  }
0xba: {  	s0 =	sor.u32 s3, s0;
	s1 =	sshll.u32 s1, $0x11  }
0xbb: {  	s0 =	sor.u32 s1, s0  }
0xbc: {  	s0 =	sadd.s32 $0x8F2B, s0  }
0xbd: {  	[sflag:s0] =	ssyncadd.remote.s32 $0x1  }
0xbe: {  	_ =	sfence.sel $0xFFFF  }
0xbf: {  	[dreg:$0x0] =	wrdreg $0xFFFFFFFF;
	(pc) =	sbr.abs _section_cstart, $3  }
0xc0: {  	[dreg:$0x1] =	wrdreg $0xFFFFFFFF  }
0xc1: {  	_ =	task.clear_ibuf [dreg:s6], $0x2FFFF;
	_ =	strace $0x9FFFFFFF  }
0xc2: {  	(tm) =	ssettm $0x7FFFFFFF  }
0xc3: {  	_ =	shalt  }
tec
execute0_lowered:
.L_overlay_start_1:
0x0: {  	(tag) =	ssettag $0x1  }
0x1: {  	s0 =	rddreg [dreg:$0x0]  }
0x2: {  	s2 =	rddreg [dreg:$0x1]  }
0x3: {  	s1 =	srdreg.scid;
	s12 =	stileid.u32  }
0x4: {  	s3 =	simm.s32 $0x0;
	s28 =	simm.s32 $0x4180;
	s30 =	simm.s32 $0x6980  }
0x5: {  	s29 =	simm.s32 $0x4;
	s31 =	simm.s32 $0x2;
	s1 =	sand.u32 $0x1, s1  }
0x6: {  	s4 =	sshll.u32 s12, $0x1;
	[smem:$0x7FF] =	sst s3;
	s8 =	smul.u32 $0x14000, s12  }
0x7: {  	s9 =	sadd.s32 $0x1400, s0;
	s10 =	sadd.s32 $0x15A00, s0;
	s13 =	smul.u32 $0x50000, s12  }
0x8: {  	s16 =	sshll.u32 s12, $0x6;
	s17 =	smul.u32 $0x4E20, s12;
	s5 =	sor.u32 s1, s4  }
0x9: {  	s6 =	smul.u32 $0x140000, s1;
	_ =	strace $0x8000004A;
	s4 =	sadd.s32 $0x39A00, s0  }
0xa: {  	[dreg:$0x3] =	wrdreg s10;
	s11 =	ssub.s32 $0x2, s1;
	s1 =	smul.u32 $0x2710, s1  }
0xb: {  	s7 =	sshll.u32 s5, $0xB;
	s14 =	sshrl.u32 s11, $0x1;
	s5 =	smul.u32 $0x2710, s5  }
0xc: {  	s15 =	sshrl.u32 s13, $0x2;
	s7 =	sadd.s32 s7, s0;
	s6 =	sadd.s32 s8, s6  }
0xd: {  	s11 =	ssub.s32 s11, s14;
	s10 =	sadd.s32 s15, s2;
	s23 =	sadd.s32 s1, s17  }
0xe: {  	s6 =	sshrl.u32 s6, $0x3;
	s5 =	sshrl.u32 s5, $0x3;
	s7 =	sadd.s32 $0x29A00, s7  }
0xf: {  	s22 =	smax.u32 s11, $0x1;
	s25 =	sadd.s32 $0x230, s23;
	s11 =	simm.s32 $0x0  }
0x10: {  	s0 =	sadd.s32 s6, s0;
	s6 =	sor.u32 $0x1C07, s16;
	[dreg:$0x4] =	wrdreg s7  }
0x11: {  	s8 =	sadd.s32 s9, s5;
	[dreg:$0xa] =	wrdreg s22;
	s1 =	sshrl.u32 s25, $0x3  }
0x12: {  	s5 =	sadd.s32 $0x1E0, s23;
	s22 =	simm.s32 $0x7;
	s18 =	sadd.s32 $0xA, s8  }
0x13: {  	s25 =	simm.s32 $0x4100;
	s19 =	sadd.s32 $0x14, s8;
	[dreg:$0x5] =	wrdreg s18  }
0x14: {  	s7 =	simm.s32 $0x3;
	s20 =	sadd.s32 $0x1E, s8;
	[dreg:$0x6] =	wrdreg s19  }
0x15: {  	s21 =	sadd.s32 $0x28, s8;
	s0 =	sadd.s32 $0x61A00, s0;
	[dreg:$0x7] =	wrdreg s20  }
0x16: {  	s15 =	sadd.s32 $0x4D8, s8;
	s24 =	sadd.s32 $0x4C4, s8;
	[dreg:$0x8] =	wrdreg s21  }
0x17: {  	s17 =	sadd.s32 $0x4CE, s8;
	s26 =	sshrl.u32 s5, $0x3;
	[dreg:$0x9] =	wrdreg s0  }
0x18: {  	s5 =	simm.s32 $0x5;
	[dreg:$0xb] =	wrdreg s24;
	s0 =	sadd.s32 $0x190, s23  }
0x19: {  	s18 =	sadd.s32 s1, s9;
	s19 =	sadd.s32 s26, s9;
	s21 =	sshrl.u32 s10, $0x3  }
0x1a: {  	s23 =	simm.s32 $0x4000;
	s24 =	simm.s32 $0x4080;
	s26 =	simm.s32 $0x50  }
0x1b: {  	s1 =	simm.s32 $0x1;
	s10 =	simm.s32 $0x3E00;
	s0 =	sshrl.u32 s0, $0x3  }
0x1c: {  	s20 =	sadd.s32 s0, s9;
	s0 =	simm.s32 $0x9180;
	s9 =	simm.s32 $0x6  }
.LBB2_1:
0x1d: {  	s12 =	rddreg [dreg:$0x3]  }
0x1e: {  	[spmem:s21], [sflag:s6] =	dma.local [hbm:s12], $0x2800  }
0x1f: {  	_ =	swait.ge [sflag:s22], $0x2800  }
0x20: {  	[sflag:s22] =	ssyncset.done $0x0  }
0x21: {  	s16 =	rddreg [dreg:$0x4];
	[sflag:s22] =	ssyncadd.s32 $0xFFFFD800  }
0x22: {  	[tilespmem:s3], [sflag:$0x7] =	stream.linear.gather [hbm4b:s16+s3], $0x3E80, $0x38;
	[tilespmem:$0x1F980] =	vst v63  }
0x23: {  	_ =	swait.ge [sflag:s22], $0x3E80  }
0x24: {  	[sflag:s22] =	ssyncset.done $0x0  }
0x25: {  	[sflag:s22] =	ssyncadd.s32 $0xFFFFC180  }
0x26: {  	[bflag:$0x0] =	sbarrier.arrive $0xFFFF  }
0x27: {  	[tilespmem:s23], [sflag:$0x4] =	stream.linear.gather [hbm4b:s8+s3], $0x50, $0x38;
	[tilespmem:$0x1F980] =	vst v63  }
0x28: {  	s13 =	rddreg [dreg:$0x5]  }
0x29: {  	[tilespmem:s24], [sflag:$0x5] =	stream.linear.gather [hbm4b:s13+s3], $0x50, $0x38;
	[tilespmem:$0x1F980] =	vst v63  }
0x2a: {  	s14 =	rddreg [dreg:$0x6]  }
0x2b: {  	[tilespmem:s25], [sflag:$0x6] =	stream.linear.gather [hbm4b:s14+s3], $0x50, $0x38;
	[tilespmem:$0x1F980] =	vst v63  }
0x2c: {  	_ = 	snop  }
0x2d: {  	[tilespmem:s28], [sflag:$0x1] =	stream.indirect.gather [hbm4b:s4+s26], $0x80, s3, s26, $0xb8;
	[tilespmem:$0x1F980] =	vst v63  }
0x2e: {  	s16 =	simm.s32 $0x80  }
0x2f: {  	[tilespmem:s30], [sflag:$0x2] =	stream.indirect.gather [hbm4b:s4+s26], $0x80, s16, s26, $0xb8;
	[tilespmem:$0x1F980] =	vst v63  }
0x30: {  	s13 =	simm.s32 $0x100  }
0x31: {  	[tilespmem:s0], [sflag:$0x3] =	stream.indirect.gather [hbm4b:s4+s26], $0x80, s13, s26, $0xb8;
	[tilespmem:$0x1F980] =	vst v63  }
0x32: {  	_ =	swait.ge [sflag:s1], $0x2800  }
0x33: {  	[sflag:s1] =	ssyncset.done $0x0  }
0x34: {  	[sflag:s1] =	ssyncadd.s32 $0xFFFFD800  }
0x35: {  	_ =	swait.ge [sflag:s29], $0x50  }
0x36: {  	[sflag:s29] =	ssyncset.done $0x0  }
0x37: {  	[sflag:s29] =	ssyncadd.s32 $0xFFFFFFB0  }
0x38: {  	[spmem:s2] =	stream.indirect.scatter.add.f32 [tilespmem:s28], [sflag:$0x7], $0x80, s23, s26, $0xb8;
	[tilespmem:$0x1F980] =	vst v63  }
0x39: {  	_ =	swait.ge [sflag:s22], $0x2800  }
0x3a: {  	[sflag:s22] =	ssyncset.done $0x0  }
0x3b: {  	s14 =	rddreg [dreg:$0x7];
	[sflag:s22] =	ssyncadd.s32 $0xFFFFD800  }
0x3c: {  	[tilespmem:s23], [sflag:$0x4] =	stream.linear.gather [hbm4b:s14+s3], $0x50, $0x38;
	[tilespmem:$0x1F980] =	vst v63  }
0x3d: {  	s16 =	simm.s32 $0x180  }
0x3e: {  	[tilespmem:s28], [sflag:$0x1] =	stream.indirect.gather [hbm4b:s4+s26], $0x80, s16, s26, $0xb8;
	[tilespmem:$0x1F980] =	vst v63  }
0x3f: {  	_ =	swait.ge [sflag:s31], $0x2800  }
0x40: {  	[sflag:s31] =	ssyncset.done $0x0  }
0x41: {  	[sflag:s31] =	ssyncadd.s32 $0xFFFFD800  }
0x42: {  	_ =	swait.ge [sflag:s5], $0x50  }
0x43: {  	[sflag:s5] =	ssyncset.done $0x0  }
0x44: {  	[sflag:s5] =	ssyncadd.s32 $0xFFFFFFB0  }
0x45: {  	[spmem:s2] =	stream.indirect.scatter.add.f32 [tilespmem:s30], [sflag:$0x7], $0x80, s24, s26, $0xb8;
	[tilespmem:$0x1F980] =	vst v63  }
0x46: {  	_ =	swait.ge [sflag:s22], $0x2800  }
0x47: {  	[sflag:s22] =	ssyncset.done $0x0  }
0x48: {  	s13 =	rddreg [dreg:$0x8];
	[sflag:s22] =	ssyncadd.s32 $0xFFFFD800  }
0x49: {  	[tilespmem:s24], [sflag:$0x5] =	stream.linear.gather [hbm4b:s13+s3], $0x50, $0x38;
	[tilespmem:$0x1F980] =	vst v63  }
0x4a: {  	s14 =	simm.s32 $0x200  }
0x4b: {  	[tilespmem:s30], [sflag:$0x2] =	stream.indirect.gather [hbm4b:s4+s26], $0x80, s14, s26, $0xb8;
	[tilespmem:$0x1F980] =	vst v63  }
0x4c: {  	_ =	swait.ge [sflag:s7], $0x2800  }
0x4d: {  	[sflag:s7] =	ssyncset.done $0x0  }
0x4e: {  	[sflag:s7] =	ssyncadd.s32 $0xFFFFD800  }
0x4f: {  	_ =	swait.ge [sflag:s9], $0x50  }
0x50: {  	[sflag:s9] =	ssyncset.done $0x0  }
0x51: {  	[sflag:s9] =	ssyncadd.s32 $0xFFFFFFB0  }
0x52: {  	[spmem:s2] =	stream.indirect.scatter.add.f32 [tilespmem:s0], [sflag:$0x7], $0x80, s25, s26, $0xb8;
	[tilespmem:$0x1F980] =	vst v63  }
0x53: {  	_ =	swait.ge [sflag:s22], $0x2800  }
0x54: {  	[sflag:s22] =	ssyncset.done $0x0  }
0x55: {  	s16 =	sadd.s32 $0x0, s20;
	[sflag:s22] =	ssyncadd.s32 $0xFFFFD800  }
0x56: {  	[tilespmem:s25], [sflag:$0x6] =	stream.linear.gather [hbm4b:s16+s3], $0x50, $0x38;
	[tilespmem:$0x1F980] =	vst v63  }
0x57: {  	s13 =	simm.s32 $0x280  }
0x58: {  	[tilespmem:s0], [sflag:$0x3] =	stream.indirect.gather [hbm4b:s4+s26], $0x80, s13, s26, $0xb8;
	[tilespmem:$0x1F980] =	vst v63  }
0x59: {  	_ =	swait.ge [sflag:s1], $0x2800  }
0x5a: {  	[sflag:s1] =	ssyncset.done $0x0  }
0x5b: {  	[sflag:s1] =	ssyncadd.s32 $0xFFFFD800  }
0x5c: {  	_ =	swait.ge [sflag:s29], $0x50  }
0x5d: {  	[sflag:s29] =	ssyncset.done $0x0  }
0x5e: {  	[sflag:s29] =	ssyncadd.s32 $0xFFFFFFB0  }
0x5f: {  	[spmem:s2] =	stream.indirect.scatter.add.f32 [tilespmem:s28], [sflag:$0x7], $0x80, s23, s26, $0xb8;
	[tilespmem:$0x1F980] =	vst v63  }
0x60: {  	_ =	swait.ge [sflag:s22], $0x2800  }
0x61: {  	[sflag:s22] =	ssyncset.done $0x0  }
0x62: {  	s14 =	sadd.s32 $0x0, s19;
	[sflag:s22] =	ssyncadd.s32 $0xFFFFD800  }
0x63: {  	[tilespmem:s23], [sflag:$0x4] =	stream.linear.gather [hbm4b:s14+s3], $0x50, $0x38;
	[tilespmem:$0x1F980] =	vst v63  }
0x64: {  	s16 =	simm.s32 $0x300  }
0x65: {  	[tilespmem:s28], [sflag:$0x1] =	stream.indirect.gather [hbm4b:s4+s26], $0x80, s16, s26, $0xb8;
	[tilespmem:$0x1F980] =	vst v63  }
0x66: {  	_ =	swait.ge [sflag:s31], $0x2800  }
0x67: {  	[sflag:s31] =	ssyncset.done $0x0  }
0x68: {  	[sflag:s31] =	ssyncadd.s32 $0xFFFFD800  }
0x69: {  	_ =	swait.ge [sflag:s5], $0x50  }
0x6a: {  	[sflag:s5] =	ssyncset.done $0x0  }
0x6b: {  	[sflag:s5] =	ssyncadd.s32 $0xFFFFFFB0  }
0x6c: {  	[spmem:s2] =	stream.indirect.scatter.add.f32 [tilespmem:s30], [sflag:$0x7], $0x80, s24, s26, $0xb8;
	[tilespmem:$0x1F980] =	vst v63  }
0x6d: {  	_ =	swait.ge [sflag:s22], $0x2800  }
0x6e: {  	s12 =	simm.s32 $0x1E;
	[sflag:s22] =	ssyncset.done $0x0  }
0x6f: {  	s13 =	simm.s32 $0x380;
	s14 =	sadd.s32 $0x0, s18;
	[sflag:s22] =	ssyncadd.s32 $0xFFFFD800  }
.LBB2_2:
0x70: {  	[tilespmem:s24], [sflag:$0x5] =	stream.linear.gather [hbm4b:s14+s3], $0x50, $0x38;
	[tilespmem:$0x1F980] =	vst v63  }
0x71: {  	p0 =	sne.s32 s12, $0x474;
	s14 =	smov.u32 s12;
	s12 =	sadd.s32 $0x1E, s12  }
0x72: {  	[tilespmem:s30], [sflag:$0x2] =	stream.indirect.gather [hbm4b:s4+s26], $0x80, s13, s26, $0xb8;
	[tilespmem:$0x1F980] =	vst v63  }
0x73: {  	_ =	swait.ge [sflag:s7], $0x2800  }
0x74: {  	[sflag:s7] =	ssyncset.done $0x0  }
0x75: {  	[sflag:s7] =	ssyncadd.s32 $0xFFFFD800  }
0x76: {  	_ =	swait.ge [sflag:s9], $0x50  }
0x77: {  	[sflag:s9] =	ssyncset.done $0x0  }
0x78: {  	[sflag:s9] =	ssyncadd.s32 $0xFFFFFFB0  }
0x79: {  	[spmem:s2] =	stream.indirect.scatter.add.f32 [tilespmem:s0], [sflag:$0x7], $0x80, s25, s26, $0xb8;
	[tilespmem:$0x1F980] =	vst v63  }
0x7a: {  	_ =	swait.ge [sflag:s22], $0x2800  }
0x7b: {  	[sflag:s22] =	ssyncset.done $0x0  }
0x7c: {  	s16 =	sadd.s32 s14, s20;
	[sflag:s22] =	ssyncadd.s32 $0xFFFFD800  }
0x7d: {  	[tilespmem:s25], [sflag:$0x6] =	stream.linear.gather [hbm4b:s16+s3], $0x50, $0x38;
	[tilespmem:$0x1F980] =	vst v63  }
0x7e: {  	s16 =	sadd.s32 $0x80, s13  }
0x7f: {  	[tilespmem:s0], [sflag:$0x3] =	stream.indirect.gather [hbm4b:s4+s26], $0x80, s16, s26, $0xb8;
	[tilespmem:$0x1F980] =	vst v63  }
0x80: {  	_ =	swait.ge [sflag:s1], $0x2800  }
0x81: {  	[sflag:s1] =	ssyncset.done $0x0  }
0x82: {  	[sflag:s1] =	ssyncadd.s32 $0xFFFFD800  }
0x83: {  	_ =	swait.ge [sflag:s29], $0x50  }
0x84: {  	[sflag:s29] =	ssyncset.done $0x0  }
0x85: {  	[sflag:s29] =	ssyncadd.s32 $0xFFFFFFB0  }
0x86: {  	[spmem:s2] =	stream.indirect.scatter.add.f32 [tilespmem:s28], [sflag:$0x7], $0x80, s23, s26, $0xb8;
	[tilespmem:$0x1F980] =	vst v63  }
0x87: {  	_ =	swait.ge [sflag:s22], $0x2800  }
0x88: {  	[sflag:s22] =	ssyncset.done $0x0  }
0x89: {  	s16 =	sadd.s32 s14, s19;
	[sflag:s22] =	ssyncadd.s32 $0xFFFFD800  }
0x8a: {  	[tilespmem:s23], [sflag:$0x4] =	stream.linear.gather [hbm4b:s16+s3], $0x50, $0x38;
	[tilespmem:$0x1F980] =	vst v63  }
0x8b: {  	s16 =	sadd.s32 $0x100, s13  }
0x8c: {  	[tilespmem:s28], [sflag:$0x1] =	stream.indirect.gather [hbm4b:s4+s26], $0x80, s16, s26, $0xb8;
	[tilespmem:$0x1F980] =	vst v63  }
0x8d: {  	_ =	swait.ge [sflag:s31], $0x2800  }
0x8e: {  	[sflag:s31] =	ssyncset.done $0x0  }
0x8f: {  	[sflag:s31] =	ssyncadd.s32 $0xFFFFD800  }
0x90: {  	_ =	swait.ge [sflag:s5], $0x50  }
0x91: {  	[sflag:s5] =	ssyncset.done $0x0  }
.Ltmp0:
0x92: {  	[sflag:s5] =	ssyncadd.s32 $0xFFFFFFB0;
	(pc) =	sbr.rel @p0 .LBB2_2-.Ltmp0, $4  }
0x93: {  	[spmem:s2] =	stream.indirect.scatter.add.f32 [tilespmem:s30], [sflag:$0x7], $0x80, s24, s26, $0xb8;
	[tilespmem:$0x1F980] =	vst v63  }
0x94: {  	_ =	swait.ge [sflag:s22], $0x2800  }
0x95: {  	[sflag:s22] =	ssyncset.done $0x0  }
0x96: {  	s14 =	sadd.s32 s14, s18;
	s13 =	sadd.s32 $0x180, s13;
	[sflag:s22] =	ssyncadd.s32 $0xFFFFD800  }
0x97: {  	[tilespmem:s24], [sflag:$0x5] =	stream.linear.gather [hbm4b:s14+s3], $0x50, $0x38;
	[tilespmem:$0x1F980] =	vst v63  }
0x98: {  	_ = 	snop  }
0x99: {  	[tilespmem:s30], [sflag:$0x2] =	stream.indirect.gather [hbm4b:s4+s26], $0x80, s13, s26, $0xb8;
	[tilespmem:$0x1F980] =	vst v63  }
0x9a: {  	_ =	swait.ge [sflag:s7], $0x2800  }
0x9b: {  	[sflag:s7] =	ssyncset.done $0x0  }
0x9c: {  	[sflag:s7] =	ssyncadd.s32 $0xFFFFD800  }
0x9d: {  	_ =	swait.ge [sflag:s9], $0x50  }
0x9e: {  	[sflag:s9] =	ssyncset.done $0x0  }
0x9f: {  	[sflag:s9] =	ssyncadd.s32 $0xFFFFFFB0  }
0xa0: {  	[spmem:s2] =	stream.indirect.scatter.add.f32 [tilespmem:s0], [sflag:$0x7], $0x80, s25, s26, $0xb8;
	[tilespmem:$0x1F980] =	vst v63  }
0xa1: {  	_ =	swait.ge [sflag:s22], $0x2800  }
0xa2: {  	[sflag:s22] =	ssyncset.done $0x0  }
0xa3: {  	s12 =	rddreg [dreg:$0xb];
	[sflag:s22] =	ssyncadd.s32 $0xFFFFD800  }
0xa4: {  	[tilespmem:s25], [sflag:$0x6] =	stream.linear.gather [hbm4b:s12+s3], $0x50, $0x38;
	[tilespmem:$0x1F980] =	vst v63  }
0xa5: {  	s16 =	simm.s32 $0x3D00  }
0xa6: {  	[tilespmem:s0], [sflag:$0x3] =	stream.indirect.gather [hbm4b:s4+s26], $0x80, s16, s26, $0xb8;
	[tilespmem:$0x1F980] =	vst v63  }
0xa7: {  	_ =	swait.ge [sflag:s1], $0x2800  }
0xa8: {  	[sflag:s1] =	ssyncset.done $0x0  }
0xa9: {  	[sflag:s1] =	ssyncadd.s32 $0xFFFFD800  }
0xaa: {  	_ =	swait.ge [sflag:s29], $0x50  }
0xab: {  	[sflag:s29] =	ssyncset.done $0x0  }
0xac: {  	[sflag:s29] =	ssyncadd.s32 $0xFFFFFFB0  }
0xad: {  	[spmem:s2] =	stream.indirect.scatter.add.f32 [tilespmem:s28], [sflag:$0x7], $0x80, s23, s26, $0xb8;
	[tilespmem:$0x1F980] =	vst v63  }
0xae: {  	_ =	swait.ge [sflag:s22], $0x2800  }
0xaf: {  	[sflag:s22] =	ssyncset.done $0x0  }
0xb0: {  	[sflag:s22] =	ssyncadd.s32 $0xFFFFD800  }
0xb1: {  	[tilespmem:s23], [sflag:$0x4] =	stream.linear.gather [hbm4b:s17+s3], $0x50, $0x38;
	[tilespmem:$0x1F980] =	vst v63  }
0xb2: {  	s13 =	simm.s32 $0x3D80  }
0xb3: {  	[tilespmem:s28], [sflag:$0x1] =	stream.indirect.gather [hbm4b:s4+s26], $0x80, s13, s26, $0xb8;
	[tilespmem:$0x1F980] =	vst v63  }
0xb4: {  	_ =	swait.ge [sflag:s31], $0x2800  }
0xb5: {  	[sflag:s31] =	ssyncset.done $0x0  }
0xb6: {  	[sflag:s31] =	ssyncadd.s32 $0xFFFFD800  }
0xb7: {  	_ =	swait.ge [sflag:s5], $0x50  }
0xb8: {  	[sflag:s5] =	ssyncset.done $0x0  }
0xb9: {  	[sflag:s5] =	ssyncadd.s32 $0xFFFFFFB0  }
0xba: {  	[spmem:s2] =	stream.indirect.scatter.add.f32 [tilespmem:s30], [sflag:$0x7], $0x80, s24, s26, $0xb8;
	[tilespmem:$0x1F980] =	vst v63  }
0xbb: {  	_ =	swait.ge [sflag:s22], $0x2800  }
0xbc: {  	[sflag:s22] =	ssyncset.done $0x0  }
0xbd: {  	[sflag:s22] =	ssyncadd.s32 $0xFFFFD800  }
0xbe: {  	[tilespmem:s24], [sflag:$0x5] =	stream.linear.gather [hbm4b:s15+s3], $0x50, $0x38;
	[tilespmem:$0x1F980] =	vst v63  }
0xbf: {  	_ = 	snop  }
0xc0: {  	[tilespmem:s30], [sflag:$0x2] =	stream.indirect.gather [hbm4b:s4+s26], $0x80, s10, s26, $0xb8;
	[tilespmem:$0x1F980] =	vst v63  }
0xc1: {  	_ =	swait.ge [sflag:s7], $0x2800  }
0xc2: {  	[sflag:s7] =	ssyncset.done $0x0  }
0xc3: {  	[sflag:s7] =	ssyncadd.s32 $0xFFFFD800  }
0xc4: {  	_ =	swait.ge [sflag:s9], $0x50  }
0xc5: {  	[sflag:s9] =	ssyncset.done $0x0  }
0xc6: {  	[sflag:s9] =	ssyncadd.s32 $0xFFFFFFB0  }
0xc7: {  	[spmem:s2] =	stream.indirect.scatter.add.f32 [tilespmem:s0], [sflag:$0x7], $0x80, s25, s26, $0xb8;
	[tilespmem:$0x1F980] =	vst v63  }
0xc8: {  	_ =	swait.ge [sflag:s22], $0x2800  }
0xc9: {  	[sflag:s22] =	ssyncset.done $0x0  }
0xca: {  	[sflag:s22] =	ssyncadd.s32 $0xFFFFD800  }
0xcb: {  	[tilespmem:s25], [sflag:$0x6] =	stream.linear.gather [hbm4b:s15+s3], $0x50, $0x38;
	[tilespmem:$0x1F980] =	vst v63  }
0xcc: {  	_ = 	snop  }
0xcd: {  	[tilespmem:s0], [sflag:$0x3] =	stream.indirect.gather [hbm4b:s4+s26], $0x80, s10, s26, $0xb8;
	[tilespmem:$0x1F980] =	vst v63  }
0xce: {  	_ =	swait.ge [sflag:s1], $0x2800  }
0xcf: {  	[sflag:s1] =	ssyncset.done $0x0  }
0xd0: {  	[sflag:s1] =	ssyncadd.s32 $0xFFFFD800  }
0xd1: {  	_ =	swait.ge [sflag:s29], $0x50  }
0xd2: {  	[sflag:s29] =	ssyncset.done $0x0  }
0xd3: {  	[sflag:s29] =	ssyncadd.s32 $0xFFFFFFB0  }
0xd4: {  	[spmem:s2] =	stream.indirect.scatter.add.f32 [tilespmem:s28], [sflag:$0x7], $0x80, s23, s26, $0xb8;
	[tilespmem:$0x1F980] =	vst v63  }
0xd5: {  	_ =	swait.ge [sflag:s22], $0x2800  }
0xd6: {  	[sflag:s22] =	ssyncset.done $0x0  }
0xd7: {  	[sflag:s22] =	ssyncadd.s32 $0xFFFFD800  }
0xd8: {  	[tilespmem:s23], [sflag:$0x4] =	stream.linear.gather [hbm4b:s15+s3], $0x50, $0x38;
	[tilespmem:$0x1F980] =	vst v63  }
0xd9: {  	_ = 	snop  }
0xda: {  	[tilespmem:s28], [sflag:$0x1] =	stream.indirect.gather [hbm4b:s4+s26], $0x80, s10, s26, $0xb8;
	[tilespmem:$0x1F980] =	vst v63  }
0xdb: {  	_ =	swait.ge [sflag:s31], $0x2800  }
0xdc: {  	[sflag:s31] =	ssyncset.done $0x0  }
0xdd: {  	[sflag:s31] =	ssyncadd.s32 $0xFFFFD800  }
0xde: {  	_ =	swait.ge [sflag:s5], $0x50  }
0xdf: {  	[sflag:s5] =	ssyncset.done $0x0  }
0xe0: {  	[sflag:s5] =	ssyncadd.s32 $0xFFFFFFB0  }
0xe1: {  	[spmem:s2] =	stream.indirect.scatter.add.f32 [tilespmem:s30], [sflag:$0x7], $0x80, s24, s26, $0xb8;
	[tilespmem:$0x1F980] =	vst v63  }
0xe2: {  	_ =	swait.ge [sflag:s22], $0x2800  }
0xe3: {  	[sflag:s22] =	ssyncset.done $0x0  }
0xe4: {  	[sflag:s22] =	ssyncadd.s32 $0xFFFFD800  }
0xe5: {  	[tilespmem:s24], [sflag:$0x5] =	stream.linear.gather [hbm4b:s15+s3], $0x50, $0x38;
	[tilespmem:$0x1F980] =	vst v63  }
0xe6: {  	_ =	swait.ge [sflag:s7], $0x2800  }
0xe7: {  	[sflag:s7] =	ssyncset.done $0x0  }
0xe8: {  	[sflag:s7] =	ssyncadd.s32 $0xFFFFD800  }
0xe9: {  	_ =	swait.ge [sflag:s1], $0x2800  }
0xea: {  	[sflag:s1] =	ssyncset.done $0x0  }
0xeb: {  	[sflag:s1] =	ssyncadd.s32 $0xFFFFD800  }
0xec: {  	_ =	swait.ge [sflag:s9], $0x50  }
0xed: {  	[sflag:s9] =	ssyncset.done $0x0  }
0xee: {  	[sflag:s9] =	ssyncadd.s32 $0xFFFFFFB0  }
0xef: {  	_ =	swait.ge [sflag:s29], $0x50  }
0xf0: {  	[sflag:s29] =	ssyncset.done $0x0  }
0xf1: {  	[sflag:s29] =	ssyncadd.s32 $0xFFFFFFB0  }
0xf2: {  	_ =	swait.ge [sflag:s5], $0x50  }
0xf3: {  	[sflag:s5] =	ssyncset.done $0x0  }
0xf4: {  	[sflag:s5] =	ssyncadd.s32 $0xFFFFFFB0  }
0xf5: {  	[bflag:$0x0] =	sbarrier.arrive $0xFFFF  }
0xf6: {  	s14 =	rddreg [dreg:$0x9]  }
0xf7: {  	[hbm:s14], [sflag:s6] =	dma.local [spmem:s21], $0x2800  }
0xf8: {  	_ =	swait.ge [sflag:s22], $0x2800  }
0xf9: {  	s11 =	sadd.s32 $0x1, s11;
	s16 =	rddreg [dreg:$0xa]  }
0xfa: {  	p0 =	sne.s32 s11, s16  }
.Ltmp1:
0xfb: {  	_ = 	snop;
	(pc) =	sbr.rel @p0 .LBB2_1-.Ltmp1, $3  }
0xfc: {  	_ =	sdelay $0x1  }
0xfd: {  	[sflag:s22] =	ssyncset.done $0x0  }
0xfe: {  	[sflag:s22] =	ssyncadd.s32 $0xFFFFD800  }
0xff: {  	_ =	sfence.sel $0x180000  }
0x100: {  	[bflag:$0x0] =	sbarrier.arrive $0xFFFF  }
0x101: {  	_ =	strace $0x9000004A  }
0x102: {  	s0 =	stileid.u32;
	[bflag:$0x2] =	sbarrier.arrive $0xFFFF  }
0x103: {  	p0 =	sne.s32 s0, $0x0;
	s0 =	rddreg [dreg:$0x2]  }
0x104: {  	s0 =	sadd.s32 @!p0 $0x100000, s0  }
0x105: {  	[sflag:s0] =	ssyncadd.tile.s32 @!p0 $0x1;
	_ =	shalt  }
.Lfunc_end2:
_tile_overlayer_lowered:
.L_overlay_start_2:
0x106: {  	(tag) =	ssettag $0x2  }
0x107: {  	s0 =	rddreg [dreg:$0x0];
	s2 =	stileid.u32  }
0x108: {  	s1 =	rddreg [dreg:$0x1];
	p0 =	sne.s32 s2, $0x0  }
0x109: {  	s3 =	rddreg [dreg:$0x2];
	[bflag:$0x3] =	sbarrier.arrive $0xFFFF;
	s2 =	simm.s32 @!p0 $0x1C07  }
0x10a: {  	[timem:s3], [sflag:s2] =	dma.local @!p0 [hbm:s0], s1  }
0x10b: {  	s0 =	simm.s32 @!p0 $0x7  }
0x10c: {  	_ =	swait.ge @!p0 [sflag:s0], s1  }
0x10d: {  	s1 =	ssub.s32 @!p0 $0x0, s1;
	[sflag:s0] =	ssyncset.done @!p0 $0x0  }
0x10e: {  	[sflag:s0] =	ssyncadd.s32 @!p0 s1  }
0x10f: {  	[bflag:$0x3] =	sbarrier.arrive $0xFFFF  }
0x110: {  	_ =	shalt  }

// kernel: kernel.15.cloned.1.call-start
scs
__scs_entry_jumppad:
0x0: {  	(pc) =	sbr.rel $0x88, $3  }
0x1: {  	(tag) =	ssettag $0x0;
	lr =	simm.s32 $0x1  }
0x2: {  	[smem:$0x3F9B] =	sst lr;
	_ =	strace $0xD0000000  }
0x3: {  	_ = 	snop  }
0x4: {  	_ = 	snop  }
0x5: {  	_ = 	snop  }
0x6: {  	_ = 	snop  }
0x7: {  	_ = 	snop  }
__scs_overlays_trampoline_lowered:
0x8: {  	[smem:$0x3FAA] =	sst s0  }
0x9: {  	[smem:$0x3FAB] =	sst s1  }
0xa: {  	[smem:$0x3FAC] =	sst s2  }
0xb: {  	[smem:$0x3FAD] =	sst s3  }
0xc: {  	[smem:$0x3FAE] =	sst s4  }
0xd: {  	[smem:$0x3FAF] =	sst s5  }
0xe: {  	[smem:$0x3FB0] =	sst s6  }
0xf: {  	[smem:$0x3FB1] =	sst s7  }
0x10: {  	[smem:$0x3FB2] =	sst s8  }
0x11: {  	[smem:$0x3FB3] =	sst s9;
	s0 =	simm.s32 @!p0 $0x0  }
0x12: {  	s1 =	sld [smem:$0x3F99];
	s0 =	simm.s32 @p0 $0x1  }
0x13: {  	[smem:$0x3FB4] =	sst s0;
	s0 =	simm.s32 @!p1 $0x0  }
0x14: {  	s2 =	sld [smem:$0x3F98];
	s0 =	simm.s32 @p1 $0x1  }
0x15: {  	[smem:$0x3FB5] =	sst s0;
	s0 =	simm.s32 @!p2 $0x0  }
0x16: {  	s3 =	sld [smem:$0x3FDB];
	s0 =	simm.s32 @p2 $0x1  }
0x17: {  	s4 =	simm.s32 $0x1BF5;
	[smem:$0x3FB7] =	sst s0  }
0x18: {  	s0 =	sld [smem:$0x3F9A];
	_ =	swait.ge [sflag:s4], $0x0  }
0x19: {  	s7 =	sld [smem:$0x3F9B]  }
0x1a: {  	s8 =	sadd.s32 $0xFFFFE003, lr  }
0x1b: {  	s9 =	sadd.s32 $0xFFFFFEF7, lr;
	s5 =	simm.s32 $0xFFFFFFFF;
	p2 =	slt.u32 s8, $0xFFFFF086  }
0x1c: {  	p1 =	slt.u32 s9, $0xF7A;
	s5 =	simm.s32 @!p2 $0x0  }
0x1d: {  	s5 =	simm.s32 @p1 $0x1;
	p0 =	seq.s32 s7, s2  }
0x1e: {  	s7 =	smul.u32 @!p0 $0xF7A, s2;
	p2 =	seq.s32 @!p0 s5, $0x0  }
0x1f: {  	s9 =	smul.u32 $0xF7A, s1;
	s8 =	simm.s32 @!p0 $0x1BF5;
	p2 =	por !p2, p0  }
0x20: {  	[sflag:s8] =	ssyncset.s32 @!p0 $0xFFFFF086;
	s6 =	sadd.s32 @!p0 s3, s7;
	s7 =	simm.s32 @!p0 $0x108  }
0x21: {  	s3 =	sadd.s32 s3, s9;
	s6 =	sadd.s32 @!p0 $0x88, s6;
	s7 =	simm.s32 @p2 $0x1082  }
0x22: {  	[simem:s7], [sflag:s8] =	dma.local @!p0 [hbm:s6], $0xF7A  }
0x23: {  	s9 =	sor.u32 $0xD0000000, s2;
	s6 =	simm.s32 $0x108;
	_ =	swait.ge @!p0 [sflag:s8], $0x0  }
0x24: {  	s3 =	sadd.s32 $0x88, s3;
	s6 =	simm.s32 @!p1 $0x1082;
	[sflag:s4] =	ssyncset.s32 $0xFFFFF086  }
0x25: {  	[simem:s6], [sflag:s4] =	dma.local [hbm:s3], $0xF7A  }
0x26: {  	[smem:$0x3F9B] =	sst s1;
	(tag) =	ssettag s2;
	_ =	strace s9  }
0x27: {  	s1 =	sld [smem:$0x3FAB]  }
0x28: {  	s2 =	sld [smem:$0x3FAC]  }
0x29: {  	s4 =	sld [smem:$0x3FAE]  }
0x2a: {  	p0 =	seq.s32 s5, $0x0;
	s5 =	sld [smem:$0x3FAF]  }
0x2b: {  	s6 =	sld [smem:$0x3FB0]  }
0x2c: {  	s7 =	sld [smem:$0x3FB1]  }
0x2d: {  	s3 =	simm.s32 $0x108;
	s8 =	sld [smem:$0x3FB2]  }
0x2e: {  	s3 =	simm.s32 @!p0 $0x1082;
	s9 =	sld [smem:$0x3FB3]  }
0x2f: {  	lr =	sadd.s32 s0, s3;
	s0 =	sld [smem:$0x3FAA]  }
0x30: {  	s3 =	sld [smem:$0x3FAD]  }
0x31: {  	[smem:$0x3FB6] =	sst s10  }
0x32: {  	s10 =	sld [smem:$0x3FB4];
	_ =	sdelay $0x3  }
0x33: {  	p0 =	seq.s32 s10, $0x1;
	s10 =	sld [smem:$0x3FB6];
	_ =	sdelay $0x3  }
0x34: {  	[smem:$0x3FB6] =	sst s10  }
0x35: {  	s10 =	sld [smem:$0x3FB5];
	_ =	sdelay $0x3  }
0x36: {  	p1 =	seq.s32 s10, $0x1;
	s10 =	sld [smem:$0x3FB6];
	_ =	sdelay $0x3  }
0x37: {  	[smem:$0x3FB6] =	sst s10  }
0x38: {  	s10 =	sld [smem:$0x3FB7]  }
0x39: {  	_ = 	snop;
	(pc) =	sbr.ind lr, $3  }
0x3a: {  	_ = 	snop  }
0x3b: {  	_ = 	snop  }
0x3c: {  	p2 =	seq.s32 s10, $0x1;
	s10 =	sld [smem:$0x3FB6]  }
0x3d: {  	_ =	shalt  }
0x3e: {  	_ =	shalt  }
0x3f: {  	_ =	shalt  }
0x40: {  	_ =	shalt  }
0x41: {  	_ =	shalt  }
0x42: {  	_ =	shalt  }
0x43: {  	_ =	shalt  }
0x44: {  	_ =	shalt  }
0x45: {  	_ =	shalt  }
0x46: {  	_ =	shalt  }
0x47: {  	_ =	shalt  }
0x48: {  	_ =	shalt  }
0x49: {  	_ =	shalt  }
0x4a: {  	_ =	shalt  }
0x4b: {  	_ =	shalt  }
0x4c: {  	_ =	shalt  }
0x4d: {  	_ =	shalt  }
0x4e: {  	_ =	shalt  }
0x4f: {  	_ =	shalt  }
0x50: {  	_ =	shalt  }
0x51: {  	_ =	shalt  }
0x52: {  	_ =	shalt  }
0x53: {  	_ =	shalt  }
0x54: {  	_ =	shalt  }
0x55: {  	_ =	shalt  }
0x56: {  	_ =	shalt  }
0x57: {  	_ =	shalt  }
0x58: {  	_ =	shalt  }
0x59: {  	_ =	shalt  }
0x5a: {  	_ =	shalt  }
0x5b: {  	_ =	shalt  }
0x5c: {  	_ =	shalt  }
0x5d: {  	_ =	shalt  }
0x5e: {  	_ =	shalt  }
0x5f: {  	_ =	shalt  }
0x60: {  	_ =	shalt  }
0x61: {  	_ =	shalt  }
0x62: {  	_ =	shalt  }
0x63: {  	_ =	shalt  }
0x64: {  	_ =	shalt  }
0x65: {  	_ =	shalt  }
0x66: {  	_ =	shalt  }
0x67: {  	_ =	shalt  }
0x68: {  	_ =	shalt  }
0x69: {  	_ =	shalt  }
0x6a: {  	_ =	shalt  }
0x6b: {  	_ =	shalt  }
0x6c: {  	_ =	shalt  }
0x6d: {  	_ =	shalt  }
0x6e: {  	_ =	shalt  }
0x6f: {  	_ =	shalt  }
0x70: {  	_ =	shalt  }
0x71: {  	_ =	shalt  }
0x72: {  	_ =	shalt  }
0x73: {  	_ =	shalt  }
0x74: {  	_ =	shalt  }
0x75: {  	_ =	shalt  }
0x76: {  	_ =	shalt  }
0x77: {  	_ =	shalt  }
0x78: {  	_ =	shalt  }
0x79: {  	_ =	shalt  }
0x7a: {  	_ =	shalt  }
0x7b: {  	_ =	shalt  }
0x7c: {  	_ =	shalt  }
0x7d: {  	_ =	shalt  }
0x7e: {  	_ =	shalt  }
0x7f: {  	_ =	shalt  }
0x80: {  	_ =	shalt  }
0x81: {  	_ =	shalt  }
0x82: {  	_ =	shalt  }
0x83: {  	_ =	shalt  }
0x84: {  	_ =	shalt  }
0x85: {  	_ =	shalt  }
0x86: {  	_ =	shalt  }
0x87: {  	_ =	shalt  }
.Lfunc_end0:
.L_simem_size_0:
called_computation.2_lowered:
.L_overlay_start_0:
0x88: {  	s2 =	sld [smem:$0x3FD9]  }
0x89: {  	s3 =	sld [smem:$0x3FFE];
	_ =	sdelay $0x1  }
0x8a: {  	s1 =	srdreg.scid  }
0x8b: {  	s0 =	sand.u32 $0x1, s1  }
0x8c: {  	s16 =	sshll.u32 s0, $0xA;
	s2 =	sadd.s32 s3, s2  }
0x8d: {  	s2 =	sadd.s32 s2, s16  }
0x8e: {  	[smem:$0x3FC2] =	sst s2  }
0x8f: {  	_ = 	snop  }
0x90: {  	(tm) =	ssettm $0x1  }
0x91: {  	s17 =	sld [smem:$0x3FFB];
	_ =	sdelay $0x3  }
0x92: {  	_ =	strace s17  }
0x93: {  	s2 =	sld [smem:$0x3FFC];
	_ =	sdelay $0x3  }
0x94: {  	_ =	strace s2  }
0x95: {  	s2 =	sld [smem:$0x3FFD];
	_ =	sdelay $0x3  }
0x96: {  	_ =	strace s2  }
0x97: {  	_ =	strace $0x8FFFFFFF  }
0x98: {  	s18 =	sld [smem:$0x3FDB];
	_ =	sdelay $0x1  }
0x99: {  	s19 =	simm.s32 $_scs_section_size  }
0x9a: {  	s4 =	simm.s32 $_size__tile_overlayer_lowered;
	s5 =	simm.s32 $_tile_overlayer_lowered  }
0x9b: {  	s22 =	simm.s32 $0x1BFF;
	s21 =	sshll.u32 s5, $0x1;
	s2 =	sadd.s32 s19, s18  }
0x9c: {  	s6 =	simm.s32 $0x0;
	s20 =	sshll.u32 s4, $0x1;
	s4 =	sadd.s32 s21, s2  }
0x9d: {  	[timem:s6], [sflag:s22] =	dma.local [hbm:s4], s20  }
0x9e: {  	_ =	swait.ge [sflag:s22], s20  }
0x9f: {  	s3 =	ssub.s32 $0x0, s20;
	[sflag:s22] =	ssyncset.done $0x0  }
0xa0: {  	[sflag:s22] =	ssyncadd.s32 s3;
	_ =	sdelay $0x1  }
0xa1: {  	s23 =	simm.s32 $0x1B8B  }
0xa2: {  	_ =	swait.ge [sflag:s23], $0x1  }
0xa3: {  	[sflag:s23] =	ssyncset.done $0x0  }
0xa4: {  	s25 =	simm.s32 $0x1B8E;
	s24 =	sld [smem:$0x3FFE];
	[sflag:s23] =	ssyncadd.s32 $0xFFFFFFFF  }
0xa5: {  	s26 =	simm.s32 $execute0_lowered;
	[smem:$0x3FD2] =	sst s25  }
0xa6: {  	s4 =	sshll.u32 s26, $0x1;
	_ =	strace $0x8000004C;
	[dreg:$0x1] =	wrdreg $0xFFFFFFFF  }
0xa7: {  	s28 =	simm.s32 $_size_execute0_lowered;
	s2 =	sadd.s32 s2, s4;
	[dreg:$0x0] =	wrdreg $0x0  }
0xa8: {  	s4 =	sshll.u32 s28, $0x1;
	[dreg:$0x2] =	wrdreg s2  }
0xa9: {  	[dreg:$0x3] =	wrdreg s4  }
0xaa: {  	[dreg:$0x4] =	wrdreg $0xC0  }
0xab: {  	_ =	task [dreg:s6], $0x5FFFF  }
0xac: {  	[dreg:$0x1] =	wrdreg $0xFFFFFFFF  }
0xad: {  	[dreg:$0x0] =	wrdreg $0x60  }
0xae: {  	[dreg:$0x2] =	wrdreg s24  }
0xaf: {  	[dreg:$0x3] =	wrdreg $0x9  }
0xb0: {  	_ =	task.clear_ibuf [dreg:s6], $0x4FFFF;
	_ =	strace $0x9000004C  }
0xb1: {  	s29 =	simm.s32 $0x9;
	_ =	strace $0x8000004E  }
0xb2: {  	_ =	swait.ge [sflag:s29], $0x1  }
0xb3: {  	[sflag:s29] =	ssyncadd.s32 $0xFFFFFFFF  }
0xb4: {  	_ =	strace $0x9000004E  }
0xb5: {  	_ =	sfence  }
0xb6: {  	s30 =	sld [smem:$0x0];
	_ =	sdelay $0x2  }
0xb7: {  	s31 =	sshll.u32 s1, $0xD;
	s1 =	sshrl.u32 s1, $0x2  }
0xb8: {  	s3 =	sand.u32 $0x4000, s31;
	s1 =	sadd.s32 s1, s30  }
0xb9: {  	s0 =	sor.u32 s3, s0;
	s1 =	sshll.u32 s1, $0x11  }
0xba: {  	s0 =	sor.u32 s1, s0  }
0xbb: {  	s0 =	sadd.s32 $0x8F2B, s0  }
0xbc: {  	[sflag:s0] =	ssyncadd.remote.s32 $0x1  }
0xbd: {  	_ =	sfence.sel $0xFFFF  }
0xbe: {  	[dreg:$0x0] =	wrdreg $0xFFFFFFFF;
	(pc) =	sbr.abs _section_cstart, $3  }
0xbf: {  	[dreg:$0x1] =	wrdreg $0xFFFFFFFF  }
0xc0: {  	_ =	task.clear_ibuf [dreg:s6], $0x2FFFF;
	_ =	strace $0x9FFFFFFF  }
0xc1: {  	(tm) =	ssettm $0x7FFFFFFF  }
tec
execute0_lowered:
.L_overlay_start_1:
0x0: {  	(tag) =	ssettag $0x1  }
0x1: {  	s5 =	rddreg [dreg:$0x0]  }
0x2: {  	s2 =	srdreg.scid;
	s1 =	stileid.u32  }
0x3: {  	s0 =	rddreg [dreg:$0x1];
	s11 =	simm.s32 $0xC780;
	s12 =	simm.s32 $0x1  }
0x4: {  	s13 =	simm.s32 $0x2;
	s14 =	simm.s32 $0x3;
	s15 =	simm.s32 $0x4  }
0x5: {  	s16 =	simm.s32 $0x80;
	s17 =	simm.s32 $0x400;
	s18 =	simm.s32 $0x5  }
0x6: {  	s19 =	simm.s32 $0x0;
	s4 =	sand.u32 $0x1, s2;
	s3 =	sshll.u32 s1, $0x1  }
0x7: {  	s2 =	simm.s32 $0x0;
	s6 =	sshrl.u32 s1, $0x2;
	s3 =	sor.u32 s4, s3  }
0x8: {  	[smem:$0x7FF] =	sst s2;
	s6 =	smul.u32 $0x28000, s6;
	s7 =	sshll.u32 s3, $0x7  }
0x9: {  	s31 =	ssub.s32 $0x2, s4;
	s4 =	sadd.s32 $0x15000, s5;
	s7 =	sand.u32 $0x380, s7  }
0xa: {  	_ =	strace $0x8000004D;
	s8 =	smul.u32 $0x4E2, s3;
	s6 =	sor.u32 s6, s7  }
0xb: {  	s3 =	sadd.s32 $0x15A00, s5;
	s9 =	sshrl.u32 s31, $0x1;
	s6 =	sshrl.u32 s6, $0x3  }
0xc: {  	s9 =	ssub.s32 s31, s9;
	s8 =	sadd.s32 s8, s5;
	s10 =	sadd.s32 s6, s5  }
0xd: {  	s5 =	sadd.s32 $0xB200, s8;
	s6 =	sadd.s32 $0x1400, s8;
	s8 =	smax.u32 s9, $0x1  }
0xe: {  	s9 =	simm.s32 $0x5000;
	s7 =	sadd.s32 $0x16400, s10;
	s10 =	simm.s32 $0xA000  }
.LBB2_1:
0xf: {  	[tilespmem:s9], [sflag:$0x1] =	stream.linear.gather [hbm4b:s4+s2], $0x5000, $0x38;
	[tilespmem:$0xEF00] =	vst v63  }
0x10: {  	_ = 	snop  }
0x11: {  	[tilespmem:s2], [sflag:$0x2] =	stream.linear.gather [hbm4b:s3+s2], $0x5000, $0x38;
	[tilespmem:$0xEF00] =	vst v63  }
0x12: {  	_ = 	snop  }
0x13: {  	[tilespmem:s10], [sflag:$0x3] =	stream.linear.gather [hbm4b:s5+s2], $0x2710, $0x38;
	[tilespmem:$0xEF00] =	vst v63  }
0x14: {  	_ = 	snop  }
0x15: {  	[tilespmem:s11], [sflag:$0x4] =	stream.linear.gather [hbm4b:s6+s2], $0x2710, $0x38;
	[tilespmem:$0xEF00] =	vst v63  }
0x16: {  	_ =	swait.ge [sflag:s12], $0x5000  }
0x17: {  	[sflag:s12] =	ssyncset.done $0x0  }
0x18: {  	[sflag:s12] =	ssyncadd.s32 $0xFFFFB000  }
0x19: {  	_ =	swait.ge [sflag:s13], $0x5000  }
0x1a: {  	[sflag:s13] =	ssyncset.done $0x0  }
0x1b: {  	[sflag:s13] =	ssyncadd.s32 $0xFFFFB000  }
0x1c: {  	_ =	swait.ge [sflag:s14], $0x2710  }
0x1d: {  	[sflag:s14] =	ssyncset.done $0x0  }
0x1e: {  	[sflag:s14] =	ssyncadd.s32 $0xFFFFD8F0  }
0x1f: {  	_ =	swait.ge [sflag:s15], $0x2710  }
0x20: {  	[sflag:s15] =	ssyncset.done $0x0  }
0x21: {  	s21 =	simm.s32 $0x0;
	s20 =	simm.s32 $0x40;
	[sflag:s15] =	ssyncadd.s32 $0xFFFFD8F0  }
.LBB2_2:
0x22: {  	p0 =	sne.s32 s20, $0x9C00;
	v0 =	vld [tilespmem:s21+$0xA000];
	_ =	sdelay $0x4  }
0x23: {  	v0 =	vshll.u32 v0, $0x1  }
0x24: {  	v1 =	vld [tilespmem:s21+$0xC780];
	v2 =	vor.u32 $0x1, v0;
	_ =	sdelay $0x3  }
0x25: {  	v0 =	vld.idx.msk [tilespmem:v0+s2+$0x0], $0xffff  }
0x26: {  	v1 =	vshll.u32 v1, $0x1;
	v2 =	vld.idx.msk [tilespmem:v2+s2+$0x0], $0xffff  }
0x27: {  	v3 =	vor.u32 $0x1, v1  }
.Ltmp0:
0x28: {  	(pc) =	sbr.rel @p0 .LBB2_2-.Ltmp0, $3  }
0x29: {  	_ =	sdelay $0x1  }
0x2a: {  	[tilespmem:v1+s9+$0x0] =	vst.idx.add.f32.msk $0xffff, v0  }
0x2b: {  	s21 =	sshra.s32 s20, $0x2;
	s20 =	sadd.s32 $0x40, s20;
	[tilespmem:v3+s9+$0x0] =	vst.idx.add.f32.msk $0xffff, v2  }
0x2c: {  	v0 =	vld [tilespmem:s21+$0xA000];
	_ =	sdelay $0x4  }
0x2d: {  	v1 =	vld [tilespmem:s21+$0xC780];
	v0 =	vshll.u32 v0, $0x1  }
0x2e: {  	v2 =	vor.u32 $0x1, v0;
	_ =	sdelay $0x3  }
0x2f: {  	v1 =	vshll.u32 v1, $0x1;
	v0 =	vld.idx.msk [tilespmem:v0+s2+$0x0], $0xffff  }
0x30: {  	v3 =	vor.u32 $0x1, v1;
	v2 =	vld.idx.msk [tilespmem:v2+s2+$0x0], $0xffff;
	_ =	sdelay $0x2  }
0x31: {  	s19 =	sadd.s32 $0x1, s19  }
0x32: {  	p0 =	sne.s32 s19, s8;
	[tilespmem:v1+s9+$0x0] =	vst.idx.add.f32.msk $0xffff, v0  }
.Ltmp1:
0x33: {  	[tilespmem:v3+s9+$0x0] =	vst.idx.add.f32.msk $0xffff, v2;
	(pc) =	sbr.rel @p0 .LBB2_1-.Ltmp1, $4  }
0x34: {  	[hbm4b:s7+s16] =	stream.strided.scatter [tilespmem:s9], [sflag:$0x5], $0x5000, s17, s16, $0x38;
	[tilespmem:$0xEF00] =	vst v63  }
0x35: {  	_ =	swait.ge [sflag:s18], $0x5000  }
0x36: {  	[sflag:s18] =	ssyncset.done $0x0  }
0x37: {  	[sflag:s18] =	ssyncadd.s32 $0xFFFFB000  }
0x38: {  	_ =	sfence.sel $0x180000  }
0x39: {  	[bflag:$0x0] =	sbarrier.arrive $0xFFFF  }
0x3a: {  	p0 =	sne.s32 s1, $0x0;
	_ =	strace $0x9000004D  }
0x3b: {  	s0 =	sadd.s32 @!p0 $0x100000, s0;
	[bflag:$0x2] =	sbarrier.arrive $0xFFFF  }
0x3c: {  	[sflag:s0] =	ssyncadd.tile.s32 @!p0 $0x1;
	_ =	shalt  }
.Lfunc_end2:
_tile_overlayer_lowered:
.L_overlay_start_2:
0x3d: {  	(tag) =	ssettag $0x2  }
0x3e: {  	s0 =	rddreg [dreg:$0x0];
	s2 =	stileid.u32  }
0x3f: {  	s1 =	rddreg [dreg:$0x1];
	p0 =	sne.s32 s2, $0x0  }
0x40: {  	s3 =	rddreg [dreg:$0x2];
	[bflag:$0x3] =	sbarrier.arrive $0xFFFF;
	s2 =	simm.s32 @!p0 $0x1C05  }
0x41: {  	[timem:s3], [sflag:s2] =	dma.local @!p0 [hbm:s0], s1  }
0x42: {  	s0 =	simm.s32 @!p0 $0x5  }
0x43: {  	_ =	swait.ge @!p0 [sflag:s0], s1  }
0x44: {  	s1 =	ssub.s32 @!p0 $0x0, s1;
	[sflag:s0] =	ssyncset.done @!p0 $0x0  }
0x45: {  	[sflag:s0] =	ssyncadd.s32 @!p0 s1  }
0x46: {  	[bflag:$0x3] =	sbarrier.arrive $0xFFFF  }
0x47: {  	_ =	shalt  }

// kernel: kernel.9.cloned.1.call-start
scs
__scs_entry_jumppad:
0x0: {  	(pc) =	sbr.rel $0x88, $3  }
0x1: {  	(tag) =	ssettag $0x0;
	lr =	simm.s32 $0x1  }
0x2: {  	[smem:$0x3F9B] =	sst lr;
	_ =	strace $0xD0000000  }
0x3: {  	_ = 	snop  }
0x4: {  	_ = 	snop  }
0x5: {  	_ = 	snop  }
0x6: {  	_ = 	snop  }
0x7: {  	_ = 	snop  }
__scs_overlays_trampoline_lowered:
0x8: {  	[smem:$0x3FAA] =	sst s0  }
0x9: {  	[smem:$0x3FAB] =	sst s1  }
0xa: {  	[smem:$0x3FAC] =	sst s2  }
0xb: {  	[smem:$0x3FAD] =	sst s3  }
0xc: {  	[smem:$0x3FAE] =	sst s4  }
0xd: {  	[smem:$0x3FAF] =	sst s5  }
0xe: {  	[smem:$0x3FB0] =	sst s6  }
0xf: {  	[smem:$0x3FB1] =	sst s7  }
0x10: {  	[smem:$0x3FB2] =	sst s8  }
0x11: {  	[smem:$0x3FB3] =	sst s9;
	s0 =	simm.s32 @!p0 $0x0  }
0x12: {  	s1 =	sld [smem:$0x3F99];
	s0 =	simm.s32 @p0 $0x1  }
0x13: {  	[smem:$0x3FB4] =	sst s0;
	s0 =	simm.s32 @!p1 $0x0  }
0x14: {  	s2 =	sld [smem:$0x3F98];
	s0 =	simm.s32 @p1 $0x1  }
0x15: {  	[smem:$0x3FB5] =	sst s0;
	s0 =	simm.s32 @!p2 $0x0  }
0x16: {  	s3 =	sld [smem:$0x3FDB];
	s0 =	simm.s32 @p2 $0x1  }
0x17: {  	s4 =	simm.s32 $0x1BF5;
	[smem:$0x3FB7] =	sst s0  }
0x18: {  	s0 =	sld [smem:$0x3F9A];
	_ =	swait.ge [sflag:s4], $0x0  }
0x19: {  	s7 =	sld [smem:$0x3F9B]  }
0x1a: {  	s8 =	sadd.s32 $0xFFFFE003, lr  }
0x1b: {  	s9 =	sadd.s32 $0xFFFFFEF7, lr;
	s5 =	simm.s32 $0xFFFFFFFF;
	p2 =	slt.u32 s8, $0xFFFFF086  }
0x1c: {  	p1 =	slt.u32 s9, $0xF7A;
	s5 =	simm.s32 @!p2 $0x0  }
0x1d: {  	s5 =	simm.s32 @p1 $0x1;
	p0 =	seq.s32 s7, s2  }
0x1e: {  	s7 =	smul.u32 @!p0 $0xF7A, s2;
	p2 =	seq.s32 @!p0 s5, $0x0  }
0x1f: {  	s9 =	smul.u32 $0xF7A, s1;
	s8 =	simm.s32 @!p0 $0x1BF5;
	p2 =	por !p2, p0  }
0x20: {  	[sflag:s8] =	ssyncset.s32 @!p0 $0xFFFFF086;
	s6 =	sadd.s32 @!p0 s3, s7;
	s7 =	simm.s32 @!p0 $0x108  }
0x21: {  	s3 =	sadd.s32 s3, s9;
	s6 =	sadd.s32 @!p0 $0x88, s6;
	s7 =	simm.s32 @p2 $0x1082  }
0x22: {  	[simem:s7], [sflag:s8] =	dma.local @!p0 [hbm:s6], $0xF7A  }
0x23: {  	s9 =	sor.u32 $0xD0000000, s2;
	s6 =	simm.s32 $0x108;
	_ =	swait.ge @!p0 [sflag:s8], $0x0  }
0x24: {  	s3 =	sadd.s32 $0x88, s3;
	s6 =	simm.s32 @!p1 $0x1082;
	[sflag:s4] =	ssyncset.s32 $0xFFFFF086  }
0x25: {  	[simem:s6], [sflag:s4] =	dma.local [hbm:s3], $0xF7A  }
0x26: {  	[smem:$0x3F9B] =	sst s1;
	(tag) =	ssettag s2;
	_ =	strace s9  }
0x27: {  	s1 =	sld [smem:$0x3FAB]  }
0x28: {  	s2 =	sld [smem:$0x3FAC]  }
0x29: {  	s4 =	sld [smem:$0x3FAE]  }
0x2a: {  	p0 =	seq.s32 s5, $0x0;
	s5 =	sld [smem:$0x3FAF]  }
0x2b: {  	s6 =	sld [smem:$0x3FB0]  }
0x2c: {  	s7 =	sld [smem:$0x3FB1]  }
0x2d: {  	s3 =	simm.s32 $0x108;
	s8 =	sld [smem:$0x3FB2]  }
0x2e: {  	s3 =	simm.s32 @!p0 $0x1082;
	s9 =	sld [smem:$0x3FB3]  }
0x2f: {  	lr =	sadd.s32 s0, s3;
	s0 =	sld [smem:$0x3FAA]  }
0x30: {  	s3 =	sld [smem:$0x3FAD]  }
0x31: {  	[smem:$0x3FB6] =	sst s10  }
0x32: {  	s10 =	sld [smem:$0x3FB4];
	_ =	sdelay $0x3  }
0x33: {  	p0 =	seq.s32 s10, $0x1;
	s10 =	sld [smem:$0x3FB6];
	_ =	sdelay $0x3  }
0x34: {  	[smem:$0x3FB6] =	sst s10  }
0x35: {  	s10 =	sld [smem:$0x3FB5];
	_ =	sdelay $0x3  }
0x36: {  	p1 =	seq.s32 s10, $0x1;
	s10 =	sld [smem:$0x3FB6];
	_ =	sdelay $0x3  }
0x37: {  	[smem:$0x3FB6] =	sst s10  }
0x38: {  	s10 =	sld [smem:$0x3FB7]  }
0x39: {  	_ = 	snop;
	(pc) =	sbr.ind lr, $3  }
0x3a: {  	_ = 	snop  }
0x3b: {  	_ = 	snop  }
0x3c: {  	p2 =	seq.s32 s10, $0x1;
	s10 =	sld [smem:$0x3FB6]  }
0x3d: {  	_ =	shalt  }
0x3e: {  	_ =	shalt  }
0x3f: {  	_ =	shalt  }
0x40: {  	_ =	shalt  }
0x41: {  	_ =	shalt  }
0x42: {  	_ =	shalt  }
0x43: {  	_ =	shalt  }
0x44: {  	_ =	shalt  }
0x45: {  	_ =	shalt  }
0x46: {  	_ =	shalt  }
0x47: {  	_ =	shalt  }
0x48: {  	_ =	shalt  }
0x49: {  	_ =	shalt  }
0x4a: {  	_ =	shalt  }
0x4b: {  	_ =	shalt  }
0x4c: {  	_ =	shalt  }
0x4d: {  	_ =	shalt  }
0x4e: {  	_ =	shalt  }
0x4f: {  	_ =	shalt  }
0x50: {  	_ =	shalt  }
0x51: {  	_ =	shalt  }
0x52: {  	_ =	shalt  }
0x53: {  	_ =	shalt  }
0x54: {  	_ =	shalt  }
0x55: {  	_ =	shalt  }
0x56: {  	_ =	shalt  }
0x57: {  	_ =	shalt  }
0x58: {  	_ =	shalt  }
0x59: {  	_ =	shalt  }
0x5a: {  	_ =	shalt  }
0x5b: {  	_ =	shalt  }
0x5c: {  	_ =	shalt  }
0x5d: {  	_ =	shalt  }
0x5e: {  	_ =	shalt  }
0x5f: {  	_ =	shalt  }
0x60: {  	_ =	shalt  }
0x61: {  	_ =	shalt  }
0x62: {  	_ =	shalt  }
0x63: {  	_ =	shalt  }
0x64: {  	_ =	shalt  }
0x65: {  	_ =	shalt  }
0x66: {  	_ =	shalt  }
0x67: {  	_ =	shalt  }
0x68: {  	_ =	shalt  }
0x69: {  	_ =	shalt  }
0x6a: {  	_ =	shalt  }
0x6b: {  	_ =	shalt  }
0x6c: {  	_ =	shalt  }
0x6d: {  	_ =	shalt  }
0x6e: {  	_ =	shalt  }
0x6f: {  	_ =	shalt  }
0x70: {  	_ =	shalt  }
0x71: {  	_ =	shalt  }
0x72: {  	_ =	shalt  }
0x73: {  	_ =	shalt  }
0x74: {  	_ =	shalt  }
0x75: {  	_ =	shalt  }
0x76: {  	_ =	shalt  }
0x77: {  	_ =	shalt  }
0x78: {  	_ =	shalt  }
0x79: {  	_ =	shalt  }
0x7a: {  	_ =	shalt  }
0x7b: {  	_ =	shalt  }
0x7c: {  	_ =	shalt  }
0x7d: {  	_ =	shalt  }
0x7e: {  	_ =	shalt  }
0x7f: {  	_ =	shalt  }
0x80: {  	_ =	shalt  }
0x81: {  	_ =	shalt  }
0x82: {  	_ =	shalt  }
0x83: {  	_ =	shalt  }
0x84: {  	_ =	shalt  }
0x85: {  	_ =	shalt  }
0x86: {  	_ =	shalt  }
0x87: {  	_ =	shalt  }
.Lfunc_end0:
.L_simem_size_0:
called_computation_lowered:
.L_overlay_start_0:
0x88: {  	s2 =	sld [smem:$0x3FD9]  }
0x89: {  	s3 =	sld [smem:$0x3FFE];
	_ =	sdelay $0x1  }
0x8a: {  	s1 =	srdreg.scid  }
0x8b: {  	s0 =	sand.u32 $0x1, s1  }
0x8c: {  	s16 =	sshll.u32 s0, $0xA;
	s2 =	sadd.s32 s3, s2  }
0x8d: {  	s2 =	sadd.s32 s2, s16  }
0x8e: {  	[smem:$0x3FC2] =	sst s2  }
0x8f: {  	_ = 	snop  }
0x90: {  	(tm) =	ssettm $0x1  }
0x91: {  	s17 =	sld [smem:$0x3FFB];
	_ =	sdelay $0x3  }
0x92: {  	_ =	strace s17  }
0x93: {  	s2 =	sld [smem:$0x3FFC];
	_ =	sdelay $0x3  }
0x94: {  	_ =	strace s2  }
0x95: {  	s2 =	sld [smem:$0x3FFD];
	_ =	sdelay $0x3  }
0x96: {  	_ =	strace s2  }
0x97: {  	_ =	strace $0x8FFFFFFF  }
0x98: {  	s18 =	sld [smem:$0x3FDB];
	_ =	sdelay $0x1  }
0x99: {  	s19 =	simm.s32 $_scs_section_size  }
0x9a: {  	s4 =	simm.s32 $_size__tile_overlayer_lowered;
	s5 =	simm.s32 $_tile_overlayer_lowered  }
0x9b: {  	s22 =	simm.s32 $0x1BFF;
	s21 =	sshll.u32 s5, $0x1;
	s2 =	sadd.s32 s19, s18  }
0x9c: {  	s6 =	simm.s32 $0x0;
	s20 =	sshll.u32 s4, $0x1;
	s4 =	sadd.s32 s21, s2  }
0x9d: {  	[timem:s6], [sflag:s22] =	dma.local [hbm:s4], s20  }
0x9e: {  	_ =	swait.ge [sflag:s22], s20  }
0x9f: {  	s3 =	ssub.s32 $0x0, s20;
	[sflag:s22] =	ssyncset.done $0x0  }
0xa0: {  	[sflag:s22] =	ssyncadd.s32 s3;
	_ =	sdelay $0x1  }
0xa1: {  	s23 =	simm.s32 $0x1B8B  }
0xa2: {  	_ =	swait.ge [sflag:s23], $0x1  }
0xa3: {  	[sflag:s23] =	ssyncset.done $0x0  }
0xa4: {  	s25 =	simm.s32 $0x1B8E;
	s24 =	sld [smem:$0x3FFE];
	[sflag:s23] =	ssyncadd.s32 $0xFFFFFFFF  }
0xa5: {  	s26 =	simm.s32 $execute0_lowered;
	[smem:$0x3FD2] =	sst s25  }
0xa6: {  	s4 =	sshll.u32 s26, $0x1;
	_ =	strace $0x80000046;
	[dreg:$0x1] =	wrdreg $0xFFFFFFFF  }
0xa7: {  	s28 =	simm.s32 $_size_execute0_lowered;
	s2 =	sadd.s32 s2, s4;
	[dreg:$0x0] =	wrdreg $0x0  }
0xa8: {  	s4 =	sshll.u32 s28, $0x1;
	[dreg:$0x2] =	wrdreg s2  }
0xa9: {  	[dreg:$0x3] =	wrdreg s4  }
0xaa: {  	[dreg:$0x4] =	wrdreg $0xC0  }
0xab: {  	_ =	task [dreg:s6], $0x5FFFF  }
0xac: {  	[dreg:$0x1] =	wrdreg $0xFFFFFFFF  }
0xad: {  	[dreg:$0x0] =	wrdreg $0x60  }
0xae: {  	[dreg:$0x2] =	wrdreg s24  }
0xaf: {  	[dreg:$0x3] =	wrdreg $0x9  }
0xb0: {  	_ =	task.clear_ibuf [dreg:s6], $0x4FFFF;
	_ =	strace $0x90000046  }
0xb1: {  	s29 =	simm.s32 $0x9;
	_ =	strace $0x80000048  }
0xb2: {  	_ =	swait.ge [sflag:s29], $0x1  }
0xb3: {  	[sflag:s29] =	ssyncadd.s32 $0xFFFFFFFF  }
0xb4: {  	_ =	strace $0x90000048  }
0xb5: {  	_ =	sfence  }
0xb6: {  	s30 =	sld [smem:$0x0];
	_ =	sdelay $0x2  }
0xb7: {  	s31 =	sshll.u32 s1, $0xD;
	s1 =	sshrl.u32 s1, $0x2  }
0xb8: {  	s3 =	sand.u32 $0x4000, s31;
	s1 =	sadd.s32 s1, s30  }
0xb9: {  	s0 =	sor.u32 s3, s0;
	s1 =	sshll.u32 s1, $0x11  }
0xba: {  	s0 =	sor.u32 s1, s0  }
0xbb: {  	s0 =	sadd.s32 $0x8F2B, s0  }
0xbc: {  	[sflag:s0] =	ssyncadd.remote.s32 $0x1  }
0xbd: {  	_ =	sfence.sel $0xFFFF  }
0xbe: {  	[dreg:$0x0] =	wrdreg $0xFFFFFFFF;
	(pc) =	sbr.abs _section_cstart, $3  }
0xbf: {  	[dreg:$0x1] =	wrdreg $0xFFFFFFFF  }
0xc0: {  	_ =	task.clear_ibuf [dreg:s6], $0x2FFFF;
	_ =	strace $0x9FFFFFFF  }
0xc1: {  	(tm) =	ssettm $0x7FFFFFFF  }
tec
execute0_lowered:
.L_overlay_start_1:
0x0: {  	(tag) =	ssettag $0x1  }
0x1: {  	s1 =	srdreg.scid  }
0x2: {  	s0 =	stileid.u32;
	s4 =	rddreg [dreg:$0x0]  }
0x3: {  	s10 =	simm.s32 $0x1;
	s11 =	simm.s32 $0x2;
	s12 =	simm.s32 $0x3  }
0x4: {  	s13 =	simm.s32 $0x80;
	s14 =	simm.s32 $0x400;
	s15 =	simm.s32 $0x4  }
0x5: {  	s16 =	simm.s32 $0x0;
	s3 =	sand.u32 $0x1, s1;
	s2 =	sshll.u32 s0, $0x1  }
0x6: {  	s1 =	rddreg [dreg:$0x1];
	s7 =	sshrl.u32 s0, $0x2;
	s5 =	sor.u32 s3, s2  }
0x7: {  	s2 =	simm.s32 $0x0;
	s7 =	smul.u32 $0x28000, s7;
	s31 =	ssub.s32 $0x2, s3  }
0x8: {  	s3 =	sadd.s32 $0x15000, s4;
	s6 =	smul.u32 $0x4E2, s5;
	s5 =	sshll.u32 s5, $0x7  }
0x9: {  	[smem:$0x7FF] =	sst s2;
	s8 =	sshrl.u32 s31, $0x1;
	s5 =	sand.u32 $0x380, s5  }
0xa: {  	_ =	strace $0x80000047;
	s6 =	sadd.s32 s6, s4;
	s5 =	sor.u32 s7, s5  }
0xb: {  	s7 =	ssub.s32 s31, s8;
	s8 =	simm.s32 $0x4F00;
	s5 =	sshrl.u32 s5, $0x3  }
0xc: {  	s7 =	smax.u32 s7, $0x1;
	s9 =	sadd.s32 s5, s4;
	s4 =	sadd.s32 $0xB200, s6  }
0xd: {  	v0 =	vimm.f32 $1.000000000e+00;
	s5 =	sadd.s32 $0x1400, s6;
	s6 =	sadd.s32 $0x15A00, s9;
	s9 =	simm.s32 $0x2780  }
.LBB2_1:
0xe: {  	[tilespmem:s8], [sflag:$0x1] =	stream.linear.gather [hbm4b:s3+s2], $0x5000, $0x38;
	[tilespmem:$0x9F00] =	vst v63  }
0xf: {  	_ = 	snop  }
0x10: {  	[tilespmem:s2], [sflag:$0x2] =	stream.linear.gather [hbm4b:s4+s2], $0x2710, $0x38;
	[tilespmem:$0x9F00] =	vst v63  }
0x11: {  	_ = 	snop  }
0x12: {  	[tilespmem:s9], [sflag:$0x3] =	stream.linear.gather [hbm4b:s5+s2], $0x2710, $0x38;
	[tilespmem:$0x9F00] =	vst v63  }
0x13: {  	_ =	swait.ge [sflag:s10], $0x5000  }
0x14: {  	[sflag:s10] =	ssyncset.done $0x0  }
0x15: {  	[sflag:s10] =	ssyncadd.s32 $0xFFFFB000  }
0x16: {  	_ =	swait.ge [sflag:s11], $0x2710  }
0x17: {  	[sflag:s11] =	ssyncset.done $0x0  }
0x18: {  	[sflag:s11] =	ssyncadd.s32 $0xFFFFD8F0  }
0x19: {  	_ =	swait.ge [sflag:s12], $0x2710  }
0x1a: {  	[sflag:s12] =	ssyncset.done $0x0  }
0x1b: {  	s17 =	simm.s32 $0x0;
	[sflag:s12] =	ssyncadd.s32 $0xFFFFD8F0  }
.LBB2_2:
0x1c: {  	s18 =	sshra.s32 s17, $0x2  }
0x1d: {  	v1 =	vld [tilespmem:s18+$0x0];
	_ =	sdelay $0x7  }
0x1e: {  	[tilespmem:v1+s8+$0x0] =	vst.idx.add.f32.msk $0xffff, v0  }
0x1f: {  	v1 =	vld [tilespmem:s18+$0x2780];
	_ =	sdelay $0x4  }
0x20: {  	p0 =	sne.s32 s17, $0x9C00;
	v1 =	vadd.s32 $0x2800, v1  }
.Ltmp0:
0x21: {  	_ = 	snop;
	(pc) =	sbr.rel @p0 .LBB2_2-.Ltmp0, $2  }
0x22: {  	_ =	sdelay $0x2  }
0x23: {  	s17 =	sadd.s32 $0x40, s17;
	[tilespmem:v1+s8+$0x0] =	vst.idx.add.f32.msk $0xffff, v0  }
0x24: {  	s16 =	sadd.s32 $0x1, s16  }
0x25: {  	p0 =	sne.s32 s16, s7  }
.Ltmp1:
0x26: {  	_ = 	snop;
	(pc) =	sbr.rel @p0 .LBB2_1-.Ltmp1, $4  }
0x27: {  	[hbm4b:s6+s13] =	stream.strided.scatter [tilespmem:s8], [sflag:$0x4], $0x5000, s14, s13, $0x38;
	[tilespmem:$0x9F00] =	vst v63  }
0x28: {  	_ =	swait.ge [sflag:s15], $0x5000  }
0x29: {  	[sflag:s15] =	ssyncset.done $0x0  }
0x2a: {  	[sflag:s15] =	ssyncadd.s32 $0xFFFFB000  }
0x2b: {  	_ =	sfence.sel $0x180000  }
0x2c: {  	[bflag:$0x0] =	sbarrier.arrive $0xFFFF  }
0x2d: {  	p0 =	sne.s32 s0, $0x0;
	_ =	strace $0x90000047  }
0x2e: {  	s0 =	sadd.s32 @!p0 $0x100000, s1;
	[bflag:$0x2] =	sbarrier.arrive $0xFFFF  }
0x2f: {  	[sflag:s0] =	ssyncadd.tile.s32 @!p0 $0x1;
	_ =	shalt  }
.Lfunc_end2:
_tile_overlayer_lowered:
.L_overlay_start_2:
0x30: {  	(tag) =	ssettag $0x2  }
0x31: {  	s0 =	rddreg [dreg:$0x0];
	s2 =	stileid.u32  }
0x32: {  	s1 =	rddreg [dreg:$0x1];
	p0 =	sne.s32 s2, $0x0  }
0x33: {  	s3 =	rddreg [dreg:$0x2];
	[bflag:$0x3] =	sbarrier.arrive $0xFFFF;
	s2 =	simm.s32 @!p0 $0x1C04  }
0x34: {  	[timem:s3], [sflag:s2] =	dma.local @!p0 [hbm:s0], s1  }
0x35: {  	s0 =	simm.s32 @!p0 $0x4  }
0x36: {  	_ =	swait.ge @!p0 [sflag:s0], s1  }
0x37: {  	s1 =	ssub.s32 @!p0 $0x0, s1;
	[sflag:s0] =	ssyncset.done @!p0 $0x0  }
0x38: {  	[sflag:s0] =	ssyncadd.s32 @!p0 s1  }
0x39: {  	[bflag:$0x3] =	sbarrier.arrive $0xFFFF  }
0x3a: {  	_ =	shalt  }

</sc_bundles>
